<compile_context>
chip_gen: v7x
topology: tpu7x:2x2x1
jax: 0.10.2.dev20260603
libtpu: 0.0.44.dev20260713+nightly
codegen_flags: <defaults>
</compile_context>

<pallas_src>
import functools

import jax
import jax.numpy as jnp
from jax import lax
from jax.experimental import pallas as pl
from jax.experimental.pallas import tpu as pltpu
from jax.experimental.pallas import tpu_sc as plsc

NC = 2
NS = 16
NW = NC * NS
K = 80
ZR = 25


def _mesh():
    return plsc.VectorSubcoreMesh(core_axis_name="c", subcore_axis_name="s")




HR = 80


@functools.lru_cache(maxsize=None)
def _deg_kernel(n, e):
    assert e % (NW * 16) == 0 and n <= HR * 128 and HR % NS == 0
    ew = e // NW
    hrt = HR // NS

    @functools.partial(
        pl.kernel,
        out_type=jax.ShapeDtypeStruct((NC, NS, HR, 128), jnp.float32),
        mesh=_mesh(),
        compiler_params=pltpu.CompilerParams(needs_layout_passes=False),
        scratch_types=[
            pltpu.VMEM((ew,), jnp.int32),
            pltpu.VMEM((HR, 128), jnp.float32),
            pltpu.VMEM((1, HR), jnp.int32),
            pltpu.VMEM_SHARED((HR, 128), jnp.float32),
        ],
    )
    def deg(dst_hbm, out_hbm, dst_v, hist, rid, acc_sh):
        c = lax.axis_index("c")
        s = lax.axis_index("s")
        wid = c * NS + s
        pltpu.sync_copy(dst_hbm.at[wid], dst_v)

        def zfill(i, _):
            hist[i // 8, pl.ds((i % 8) * 16, 16)] = jnp.zeros((16,), jnp.float32)
            return 0

        lax.fori_loop(0, HR * 8, zfill, 0)
        base = lax.iota(jnp.int32, 16)

        def rfill(i, _):
            rid[0, pl.ds(i * 16, 16)] = base + i * 16
            return 0

        lax.fori_loop(0, HR // 16, rfill, 0)
        pltpu.sync_copy(hist.at[pl.ds(0, hrt)],
                        acc_sh.at[pl.ds(s * hrt, hrt)])
        ones = jnp.full((16,), 1.0, jnp.float32)
        plsc.subcore_barrier()

        def body(i, _):
            idx = dst_v[pl.ds(i * 16, 16)]
            plsc.addupdate_scatter(
                hist, [lax.shift_right_logical(idx, 7),
                       lax.bitwise_and(idx, 127)], ones)
            return 0

        lax.fori_loop(0, ew // 16, body, 0)
        pltpu.sync_copy(hist, acc_sh.at[rid.at[0]], add=True)
        plsc.subcore_barrier()
        pltpu.sync_copy(acc_sh, out_hbm.at[c, s])

    return deg


NBUF = 2


@functools.lru_cache(maxsize=None)
def _agg_kernel(n, e, d):
    assert e % (NW * K) == 0 and n % NS == 0 and (n // NS) % ZR == 0
    ew = e // NW
    nt = n // NS
    ch = ew // K
    tail = ch - (ch // NBUF - 1) * NBUF
    assert tail >= NBUF

    @functools.partial(
        pl.kernel,
        out_type=jax.ShapeDtypeStruct((NC, NS, nt, d), jnp.float32),
        mesh=_mesh(),
        scratch_types=[
            pltpu.VMEM((ew,), jnp.int32),
            pltpu.VMEM((ch, K), jnp.int32),
            pltpu.VMEM_SHARED((n, d), jnp.float32),
        ]
        + [pltpu.VMEM((K, d), jnp.float32)] * NBUF
        + [pltpu.SemaphoreType.DMA] * NBUF,
    )
    def agg(hs_hbm, src_hbm, dst_hbm, zeros_hbm, out_hbm,
            src_v, dst_v, acc_sh, *rest):
        rows = rest[:NBUF]
        sems = rest[NBUF:]
        c = lax.axis_index("c")
        s = lax.axis_index("s")
        wid = c * NS + s
        pltpu.sync_copy(src_hbm.at[wid], src_v)
        pltpu.sync_copy(dst_hbm.at[wid], dst_v)
        pltpu.sync_copy(zeros_hbm, acc_sh.at[pl.ds(s * nt, nt), :])
        plsc.subcore_barrier()

        def issue(i, b):
            pltpu.async_copy(
                hs_hbm.at[src_v.at[pl.ds(i * K, K)]], rows[b], sems[b])

        for b in range(NBUF):
            issue(b, b)

        def body(g, _):
            for b in range(NBUF):
                i = g * NBUF + b
                pltpu.make_async_copy(
                    hs_hbm.at[pl.ds(0, K)], rows[b], sems[b]).wait()
                pltpu.sync_copy(rows[b], acc_sh.at[dst_v.at[i]], add=True)
                issue(i + NBUF, b)
            return 0

        lax.fori_loop(0, ch // NBUF - 1, body, 0)
        base = (ch // NBUF - 1) * NBUF
        for t in range(tail):
            b = t % NBUF
            i = base + t
            pltpu.make_async_copy(
                hs_hbm.at[pl.ds(0, K)], rows[b], sems[b]).wait()
            pltpu.sync_copy(rows[b], acc_sh.at[dst_v.at[i]], add=True)
            if i + NBUF < ch:
                issue(i + NBUF, b)

        plsc.subcore_barrier()
        pltpu.sync_copy(acc_sh.at[pl.ds(s * nt, nt), :], out_hbm.at[c, s])

    return agg


def _t1_body(deg0_ref, deg1_ref, x_ref, w_ref, dis_ref, hs_ref):
    deg = deg0_ref[...] + deg1_ref[...] + 1.0
    dis = lax.rsqrt(deg)
    dis_ref[...] = dis
    h = jnp.dot(x_ref[...], w_ref[...], preferred_element_type=jnp.float32)
    hs_ref[...] = h * dis


def _t2_body(aggp_ref, hs_ref, dis_ref, b_ref, w_ref, out_ref):
    dis = dis_ref[...]
    t = dis * (aggp_ref[0] + aggp_ref[1] + hs_ref[...]) + b_ref[...]
    t = jnp.maximum(t, 0.0)
    out_ref[...] = jnp.dot(t, w_ref[...], preferred_element_type=jnp.float32) * dis


def _t3_body(aggp_ref, hs_ref, dis_ref, b_ref, out_ref):
    out_ref[...] = (dis_ref[...] * (aggp_ref[0] + aggp_ref[1] + hs_ref[...])
                    + b_ref[...])


_TC_PARAMS = pltpu.CompilerParams(skip_device_barrier=True)


def _row_spec(b, d):
    return pl.BlockSpec((b, d), lambda i: (i, 0))


def _pair_spec(b, d):
    return pl.BlockSpec((NC, b, d), lambda i: (0, i, 0))


def _full_spec(r, c):
    return pl.BlockSpec((r, c), lambda i: (0, 0))


def _t1_call(deg0, deg1, x, w, blk):
    n, d = x.shape
    col = pl.BlockSpec((blk, 1), lambda i: (i, 0))
    return pl.pallas_call(
        _t1_body,
        compiler_params=_TC_PARAMS,
        grid=(n // blk,),
        in_specs=[col, col, _row_spec(blk, d), _full_spec(d, w.shape[1])],
        out_specs=[col, _row_spec(blk, w.shape[1])],
        out_shape=[jax.ShapeDtypeStruct((n, 1), jnp.float32),
                   jax.ShapeDtypeStruct((n, w.shape[1]), jnp.float32)],
    )(deg0, deg1, x, w)


def _t2_call(aggp, hs, dis, b, w, blk):
    n, d = hs.shape
    return pl.pallas_call(
        _t2_body,
        compiler_params=_TC_PARAMS,
        grid=(n // blk,),
        in_specs=[_pair_spec(blk, d), _row_spec(blk, d),
                  pl.BlockSpec((blk, 1), lambda i: (i, 0)),
                  _full_spec(1, d), _full_spec(d, w.shape[1])],
        out_specs=_row_spec(blk, w.shape[1]),
        out_shape=jax.ShapeDtypeStruct((n, w.shape[1]), jnp.float32),
    )(aggp, hs, dis, b, w)


def _t3_call(aggp, hs, dis, b, blk):
    n, d = hs.shape
    return pl.pallas_call(
        _t3_body,
        compiler_params=_TC_PARAMS,
        grid=(n // blk,),
        in_specs=[_pair_spec(blk, d), _row_spec(blk, d),
                  pl.BlockSpec((blk, 1), lambda i: (i, 0)),
                  _full_spec(1, d)],
        out_specs=_row_spec(blk, d),
        out_shape=jax.ShapeDtypeStruct((n, d), jnp.float32),
    )(aggp, hs, dis, b)


@jax.jit
def _run(x, edge_index, W1, b1, W2, b2, W3, b3):
    src = edge_index[0]
    dst = edge_index[1]
    n = x.shape[0]
    e = edge_index.shape[1]
    d = W1.shape[1]
    blk = 2000

    ch = e // (NW * K)
    src3 = src.reshape(NW, e // NW)
    dst3 = dst.reshape(NW, ch, K)
    zeros = jnp.zeros((n // NS, d), jnp.float32)

    degp = _deg_kernel(n, e)(dst.reshape(NW, e // NW))
    deg0 = degp[0, 0].reshape(HR * 128, 1)
    deg1 = degp[1, 0].reshape(HR * 128, 1)
    dis, hs1 = _t1_call(deg0, deg1, x, W1, blk)

    agg = _agg_kernel(n, e, d)
    agg1 = agg(hs1, src3, dst3, zeros).reshape(NC, n, d)
    hs2 = _t2_call(agg1, hs1, dis, b1.reshape(1, -1), W2, blk)
    agg2 = agg(hs2, src3, dst3, zeros).reshape(NC, n, d)
    hs3 = _t2_call(agg2, hs2, dis, b2.reshape(1, -1), W3, blk)
    agg3 = agg(hs3, src3, dst3, zeros).reshape(NC, n, d)
    return _t3_call(agg3, hs3, dis, b3.reshape(1, -1), blk)


def kernel(x, edge_index, W1, b1, W2, b2, W3, b3):
    return _run(x, edge_index, W1, b1, W2, b2, W3, b3)

# --- scband reference (transcript-rebuilt; emitter-appended) ---
"""Pipeline reference for scband-my-gcn-81174881894904 (READ-ONLY COPY).

The authoritative reference and input builder live on the scoring server;
editing this copy changes nothing except your own understanding.
"""

import jax, jax.numpy as jnp
import numpy as np

N = 10000
E = 320000
D_IN = 128
H1 = 128
H2 = 128
D_OUT = 128


def setup_inputs(seed: int = 0) -> dict:
    key = jax.random.key(seed)
    ks = jax.random.split(key, 9)
    x = jax.random.normal(ks[0], (N, D_IN), dtype=jnp.float32)
    edge_index = jax.random.randint(ks[1], (2, E), 0, N, dtype=jnp.int32)
    W1 = jax.random.normal(ks[2], (D_IN, H1), dtype=jnp.float32) * (1.0 / np.sqrt(D_IN))
    b1 = jnp.zeros((H1,), dtype=jnp.float32)
    W2 = jax.random.normal(ks[3], (H1, H2), dtype=jnp.float32) * (1.0 / np.sqrt(H1))
    b2 = jnp.zeros((H2,), dtype=jnp.float32)
    W3 = jax.random.normal(ks[4], (H2, D_OUT), dtype=jnp.float32) * (1.0 / np.sqrt(H2))
    b3 = jnp.zeros((D_OUT,), dtype=jnp.float32)
    return {"x": x, "edge_index": edge_index, "W1": W1, "b1": b1, "W2": W2, "b2": b2, "W3": W3, "b3": b3}


def gcn_layer(x, edge_index, W, b):
    # GCNConv: add self-loops, symmetric normalization D^-1/2 (A+I) D^-1/2, then X W + b
    n = x.shape[0]
    src = edge_index[0]
    dst = edge_index[1]
    loop = jnp.arange(n, dtype=src.dtype)
    src = jnp.concatenate([src, loop])
    dst = jnp.concatenate([dst, loop])
    deg = jnp.zeros((n,), dtype=x.dtype).at[dst].add(1.0)
    deg_inv_sqrt = jnp.where(deg > 0, jax.lax.rsqrt(jnp.maximum(deg, 1e-12)), 0.0)
    norm = deg_inv_sqrt[src] * deg_inv_sqrt[dst]
    h = x @ W
    msg = h[src] * norm[:, None]
    out = jnp.zeros((n, W.shape[1]), dtype=x.dtype).at[dst].add(msg)
    return out + b


def reference(x, edge_index, W1, b1, W2, b2, W3, b3):
    # dropout is identity in eval mode (F.dropout with training=False)
    h = jax.nn.relu(gcn_layer(x, edge_index, W1, b1))
    h = jax.nn.relu(gcn_layer(h, edge_index, W2, b2))
    out = gcn_layer(h, edge_index, W3, b3)
    return out

if __name__ == "__main__":
    import jax
    _d = setup_inputs()
    print(jax.jit(kernel)(*tuple(_d.values())))

</pallas_src>

<mosaic_0001>
#map = affine_map<(d0, d1) -> (0, 0)>
#map1 = affine_map<(d0, d1) -> (0, 0, 0, 0)>
module attributes {stable_mosaic.version = 14 : i64} {
  func.func @deg(%arg0: i32, %arg1: i32, %arg2: memref<32x10000xi32, #tpu.memory_space<hbm>>, %arg3: memref<2x16x80x128xf32, #tpu.memory_space<hbm>>, %arg4: memref<10000xi32, #tpu.memory_space<vmem>>, %arg5: memref<80x128xf32, #tpu.memory_space<vmem>>, %arg6: memref<1x80xi32, #tpu.memory_space<vmem>>, %arg7: memref<80x128xf32, #tpu.memory_space<vmem_shared>>) attributes {dimension_semantics = [#tpu.dimension_semantics<core_parallel>, #tpu.dimension_semantics<subcore_parallel>], iteration_bounds = array<i64: 2, 16>, scalar_prefetch = 0 : i64, scratch_operands = 4 : i64, tpu.core_type = #tpu.core_type<sc_vector_subcore>, window_params = [{transform_indices = #map}, {transform_indices = #map1}]} {
    %mul3A = arith.constant 16 : i32
    %mul3A_0 = arith.muli %arg0, %mul3A : i32
    %add3A = arith.addi %mul3A_0, %arg1 : i32
    "tpu.region"() ({
      %run_scoped3A_25 = tpu.sem_alloc : memref<!tpu.dma_semaphore, #tpu.memory_space<semaphore_mem>>
      %dma_start3A = arith.constant 0 : i32
      %dma_start3A_26 = tpu.memref_slice %arg2[%add3A, %dma_start3A] : memref<32x10000xi32, #tpu.memory_space<hbm>> -> memref<1x10000xi32, #tpu.memory_space<hbm>>
      %dma_start3A_27 = tpu.memref_squeeze %dma_start3A_26 : memref<1x10000xi32, #tpu.memory_space<hbm>> -> memref<10000xi32, #tpu.memory_space<hbm>>
      %dma_start3A_28 = arith.constant 0 : i32
      %dma_start3A_29 = tpu.memref_slice %arg2[%add3A, %dma_start3A_28] : memref<32x10000xi32, #tpu.memory_space<hbm>> -> memref<1x10000xi32, #tpu.memory_space<hbm>>
      %dma_start3A_30 = tpu.memref_squeeze %dma_start3A_29 : memref<1x10000xi32, #tpu.memory_space<hbm>> -> memref<10000xi32, #tpu.memory_space<hbm>>
      tpu.enqueue_dma source(%dma_start3A_30 : memref<10000xi32, #tpu.memory_space<hbm>>) target(%arg4 : memref<10000xi32, #tpu.memory_space<vmem>>) target_semaphore(%run_scoped3A_25 : memref<!tpu.dma_semaphore, #tpu.memory_space<semaphore_mem>>)
      %dma_wait3A = arith.constant 0 : i32
      %dma_wait3A_31 = tpu.memref_slice %arg2[%add3A, %dma_wait3A] : memref<32x10000xi32, #tpu.memory_space<hbm>> -> memref<1x10000xi32, #tpu.memory_space<hbm>>
      %dma_wait3A_32 = tpu.memref_squeeze %dma_wait3A_31 : memref<1x10000xi32, #tpu.memory_space<hbm>> -> memref<10000xi32, #tpu.memory_space<hbm>>
      %dma_wait3A_33 = arith.constant 0 : i32
      %dma_wait3A_34 = tpu.memref_slice %arg2[%add3A, %dma_wait3A_33] : memref<32x10000xi32, #tpu.memory_space<hbm>> -> memref<1x10000xi32, #tpu.memory_space<hbm>>
      %dma_wait3A_35 = tpu.memref_squeeze %dma_wait3A_34 : memref<1x10000xi32, #tpu.memory_space<hbm>> -> memref<10000xi32, #tpu.memory_space<hbm>>
      tpu.wait_dma2 semaphore(%run_scoped3A_25 : memref<!tpu.dma_semaphore, #tpu.memory_space<semaphore_mem>>) src(%dma_wait3A_35 : memref<10000xi32, #tpu.memory_space<hbm>>) dst(%arg4 : memref<10000xi32, #tpu.memory_space<vmem>>)
      tpu.yield
    }) : () -> ()
    %scan3A = arith.constant 0 : i32
    %scan3A_1 = arith.constant 0 : i32
    %scan3A_2 = arith.constant 640 : i32
    %scan3A_3 = arith.addi %scan3A_1, %scan3A_2 : i32
    %scan3A_4 = arith.constant 1 : i32
    %scan3A_5 = scf.for %scan3A_25 = %scan3A_1 to %scan3A_3 step %scan3A_4 iter_args(%scan3A_26 = %scan3A) -> (i32)  : i32 {
      %broadcast_in_dim3A_27 = arith.constant 0.000000e+00 : f32
      %broadcast_in_dim3A_28 = vector.broadcast %broadcast_in_dim3A_27 : f32 to vector<16xf32>
      %jit3A = arith.constant 8 : i32
      %div3A = arith.divsi %scan3A_25, %jit3A : i32
      %sign3A = arith.constant 0 : i32
      %sign3A_29 = arith.cmpi sgt, %scan3A_25, %sign3A : i32
      %sign3A_30 = arith.extui %sign3A_29 : i1 to i32
      %sign3A_31 = arith.constant 0 : i32
      %sign3A_32 = arith.cmpi slt, %scan3A_25, %sign3A_31 : i32
      %sign3A_33 = arith.extui %sign3A_32 : i1 to i32
      %sign3A_34 = arith.subi %sign3A_30, %sign3A_33 : i32
      %sign3A_35 = arith.constant 0 : i32
      %sign3A_36 = arith.cmpi sgt, %jit3A, %sign3A_35 : i32
      %sign3A_37 = arith.extui %sign3A_36 : i1 to i32
      %sign3A_38 = arith.constant 0 : i32
      %sign3A_39 = arith.cmpi slt, %jit3A, %sign3A_38 : i32
      %sign3A_40 = arith.extui %sign3A_39 : i1 to i32
      %sign3A_41 = arith.subi %sign3A_37, %sign3A_40 : i32
      %ne3A = arith.cmpi ne, %sign3A_34, %sign3A_41 : i32
      %rem3A = arith.remsi %scan3A_25, %jit3A : i32
      %ne3A_42 = arith.constant 0 : i32
      %ne3A_43 = arith.cmpi ne, %rem3A, %ne3A_42 : i32
      %and3A = arith.andi %ne3A, %ne3A_43 : i1
      %sub3A = arith.constant 1 : i32
      %sub3A_44 = arith.subi %div3A, %sub3A : i32
      %select_n3A = arith.select %and3A, %sub3A_44, %div3A : i32
      %jit3A_45 = arith.constant 8 : i32
      %eq3A = arith.constant 0 : i32
      %eq3A_46 = arith.cmpi eq, %jit3A_45, %eq3A : i32
      %jit3A_47 = arith.constant 1 : i32
      %select_n3A_48 = arith.select %eq3A_46, %jit3A_47, %jit3A_45 : i32
      %rem3A_49 = arith.remsi %scan3A_25, %select_n3A_48 : i32
      %ne3A_50 = arith.constant 0 : i32
      %ne3A_51 = arith.cmpi ne, %rem3A_49, %ne3A_50 : i32
      %lt3A = arith.constant 0 : i32
      %lt3A_52 = arith.cmpi slt, %rem3A_49, %lt3A : i32
      %lt3A_53 = arith.constant 0 : i32
      %lt3A_54 = arith.cmpi slt, %select_n3A_48, %lt3A_53 : i32
      %ne3A_55 = arith.xori %lt3A_52, %lt3A_54 : i1
      %and3A_56 = arith.andi %ne3A_55, %ne3A_51 : i1
      %add3A_57 = arith.addi %rem3A_49, %select_n3A_48 : i32
      %select_n3A_58 = arith.select %and3A_56, %add3A_57, %rem3A_49 : i32
      %mul3A_59 = arith.constant 16 : i32
      %mul3A_60 = arith.muli %select_n3A_58, %mul3A_59 : i32
      %swap3A = arith.index_cast %select_n3A : i32 to index
      %swap3A_61 = arith.index_cast %mul3A_60 : i32 to index
      %swap3A_62 = tpu.vector_load %arg5[%swap3A, %swap3A_61] {strides = array<i32>} : memref<80x128xf32, #tpu.memory_space<vmem>>, vector<16xf32>,
      tpu.vector_store %arg5[%swap3A, %swap3A_61], %broadcast_in_dim3A_28 {strides = array<i32>} : memref<80x128xf32, #tpu.memory_space<vmem>>, vector<16xf32>,
      %scan3A_63 = arith.constant 0 : i32
      scf.yield %scan3A_63 : i32
    }
    %scan3A_6 = arith.constant 640 : i32
    %iota3A = tpu.iota {dimensions = array<i32: 0>} : vector<16xi32>
    %scan3A_7 = arith.constant 0 : i32
    %scan3A_8 = arith.constant 0 : i32
    %scan3A_9 = arith.constant 5 : i32
    %scan3A_10 = arith.addi %scan3A_8, %scan3A_9 : i32
    %scan3A_11 = arith.constant 1 : i32
    %scan3A_12 = scf.for %scan3A_25 = %scan3A_8 to %scan3A_10 step %scan3A_11 iter_args(%scan3A_26 = %scan3A_7) -> (i32)  : i32 {
      %mul3A_27 = arith.constant 16 : i32
      %mul3A_28 = arith.muli %scan3A_25, %mul3A_27 : i32
      %add3A_29 = vector.broadcast %mul3A_28 : i32 to vector<16xi32>
      %add3A_30 = arith.addi %iota3A, %add3A_29 : vector<16xi32>
      %mul3A_31 = arith.constant 16 : i32
      %mul3A_32 = arith.muli %scan3A_25, %mul3A_31 : i32
      %swap3A = arith.constant 0 : i32
      %swap3A_33 = arith.index_cast %swap3A : i32 to index
      %swap3A_34 = arith.index_cast %mul3A_32 : i32 to index
      %swap3A_35 = tpu.vector_load %arg6[%swap3A_33, %swap3A_34] {strides = array<i32>} : memref<1x80xi32, #tpu.memory_space<vmem>>, vector<16xi32>,
      tpu.vector_store %arg6[%swap3A_33, %swap3A_34], %add3A_30 {strides = array<i32>} : memref<1x80xi32, #tpu.memory_space<vmem>>, vector<16xi32>,
      %scan3A_36 = arith.constant 0 : i32
      scf.yield %scan3A_36 : i32
    }
    %scan3A_13 = arith.constant 5 : i32
    %mul3A_14 = arith.constant 5 : i32
    %mul3A_15 = arith.muli %arg1, %mul3A_14 : i32
    "tpu.region"() ({
      %run_scoped3A_25 = tpu.sem_alloc : memref<!tpu.dma_semaphore, #tpu.memory_space<semaphore_mem>>
      %dma_start3A = arith.constant 0 : i32
      %dma_start3A_26 = arith.constant 0 : i32
      %dma_start3A_27 = tpu.memref_slice %arg5[%dma_start3A, %dma_start3A_26] : memref<80x128xf32, #tpu.memory_space<vmem>> -> memref<5x128xf32, #tpu.memory_space<vmem>>
      %dma_start3A_28 = arith.constant 0 : i32
      %dma_start3A_29 = tpu.memref_slice %arg7[%mul3A_15, %dma_start3A_28] : memref<80x128xf32, #tpu.memory_space<vmem_shared>> -> memref<5x128xf32, #tpu.memory_space<vmem_shared>>
      %dma_start3A_30 = arith.constant 0 : i32
      %dma_start3A_31 = tpu.memref_slice %arg7[%mul3A_15, %dma_start3A_30] : memref<80x128xf32, #tpu.memory_space<vmem_shared>> -> memref<5x128xf32, #tpu.memory_space<vmem_shared>>
      %dma_start3A_32 = arith.constant 0 : i32
      %dma_start3A_33 = arith.constant 0 : i32
      %dma_start3A_34 = tpu.memref_slice %arg5[%dma_start3A_32, %dma_start3A_33] : memref<80x128xf32, #tpu.memory_space<vmem>> -> memref<5x128xf32, #tpu.memory_space<vmem>>
      tpu.enqueue_dma source(%dma_start3A_34 : memref<5x128xf32, #tpu.memory_space<vmem>>) target(%dma_start3A_31 : memref<5x128xf32, #tpu.memory_space<vmem_shared>>) target_semaphore(%run_scoped3A_25 : memref<!tpu.dma_semaphore, #tpu.memory_space<semaphore_mem>>)
      %dma_wait3A = arith.constant 0 : i32
      %dma_wait3A_35 = arith.constant 0 : i32
      %dma_wait3A_36 = tpu.memref_slice %arg5[%dma_wait3A, %dma_wait3A_35] : memref<80x128xf32, #tpu.memory_space<vmem>> -> memref<5x128xf32, #tpu.memory_space<vmem>>
      %dma_wait3A_37 = arith.constant 0 : i32
      %dma_wait3A_38 = tpu.memref_slice %arg7[%mul3A_15, %dma_wait3A_37] : memref<80x128xf32, #tpu.memory_space<vmem_shared>> -> memref<5x128xf32, #tpu.memory_space<vmem_shared>>
      %dma_wait3A_39 = arith.constant 0 : i32
      %dma_wait3A_40 = tpu.memref_slice %arg7[%mul3A_15, %dma_wait3A_39] : memref<80x128xf32, #tpu.memory_space<vmem_shared>> -> memref<5x128xf32, #tpu.memory_space<vmem_shared>>
      %dma_wait3A_41 = arith.constant 0 : i32
      %dma_wait3A_42 = arith.constant 0 : i32
      %dma_wait3A_43 = tpu.memref_slice %arg5[%dma_wait3A_41, %dma_wait3A_42] : memref<80x128xf32, #tpu.memory_space<vmem>> -> memref<5x128xf32, #tpu.memory_space<vmem>>
      tpu.wait_dma2 semaphore(%run_scoped3A_25 : memref<!tpu.dma_semaphore, #tpu.memory_space<semaphore_mem>>) src(%dma_wait3A_43 : memref<5x128xf32, #tpu.memory_space<vmem>>) dst(%dma_wait3A_40 : memref<5x128xf32, #tpu.memory_space<vmem_shared>>)
      tpu.yield
    }) : () -> ()
    %broadcast_in_dim3A = arith.constant 1.000000e+00 : f32
    %broadcast_in_dim3A_16 = vector.broadcast %broadcast_in_dim3A : f32 to vector<16xf32>
    %barrier3A = arith.constant 0 : index
    tpu.barrier barrier_id(%barrier3A)
    %scan3A_17 = arith.constant 0 : i32
    %scan3A_18 = arith.constant 0 : i32
    %scan3A_19 = arith.constant 625 : i32
    %scan3A_20 = arith.addi %scan3A_18, %scan3A_19 : i32
    %scan3A_21 = arith.constant 1 : i32
    %scan3A_22 = scf.for %scan3A_25 = %scan3A_18 to %scan3A_20 step %scan3A_21 iter_args(%scan3A_26 = %scan3A_17) -> (i32)  : i32 {
      %mul3A_27 = arith.constant 16 : i32
      %mul3A_28 = arith.muli %scan3A_25, %mul3A_27 : i32
      %get3A = arith.index_cast %mul3A_28 : i32 to index
      %get3A_29 = tpu.vector_load %arg4[%get3A] {strides = array<i32>} : memref<10000xi32, #tpu.memory_space<vmem>>, vector<16xi32>,
      %shift_right_logical3A = arith.constant 7 : i32
      %shift_right_logical3A_30 = vector.broadcast %shift_right_logical3A : i32 to vector<16xi32>
      %shift_right_logical3A_31 = arith.shrui %get3A_29, %shift_right_logical3A_30 : vector<16xi32>
      %and3A = arith.constant 127 : i32
      %and3A_32 = vector.broadcast %and3A : i32 to vector<16xi32>
      %and3A_33 = arith.andi %get3A_29, %and3A_32 : vector<16xi32>
      tpu.vector_store_idx %arg5[%shift_right_logical3A_31, %and3A_33], %broadcast_in_dim3A_16 {add = true} : memref<80x128xf32, #tpu.memory_space<vmem>>[vector<16xi32>, vector<16xi32>], vector<16xf32>,
      %scan3A_34 = arith.constant 0 : i32
      scf.yield %scan3A_34 : i32
    }
    %scan3A_23 = arith.constant 625 : i32
    %run_scoped3A = arith.constant 0 : i32
    "tpu.region"() ({
      %run_scoped3A_25 = tpu.sem_alloc : memref<!tpu.dma_semaphore, #tpu.memory_space<semaphore_mem>>
      %dma_start3A = arith.constant 0 : i32
      %dma_start3A_26 = tpu.memref_slice %arg6[%run_scoped3A, %dma_start3A] : memref<1x80xi32, #tpu.memory_space<vmem>> -> memref<1x80xi32, #tpu.memory_space<vmem>>
      %dma_start3A_27 = tpu.memref_squeeze %dma_start3A_26 : memref<1x80xi32, #tpu.memory_space<vmem>> -> memref<80xi32, #tpu.memory_space<vmem>>
      %dma_start3A_28 = arith.constant 0 : i32
      %dma_start3A_29 = arith.constant 0 : i32
      %dma_start3A_30 = tpu.memref_slice %arg7[%dma_start3A_28, %dma_start3A_29] : memref<80x128xf32, #tpu.memory_space<vmem_shared>> -> memref<80x128xf32, #tpu.memory_space<vmem_shared>>
      tpu.enqueue_indirect_dma source(%arg5 : memref<80x128xf32, #tpu.memory_space<vmem>>) target(%dma_start3A_30 : memref<80x128xf32, #tpu.memory_space<vmem_shared>>) offsets(%dma_start3A_27 : memref<80xi32, #tpu.memory_space<vmem>>) semaphore(%run_scoped3A_25 : memref<!tpu.dma_semaphore, #tpu.memory_space<semaphore_mem>>) {add = true}
      %dma_wait3A = arith.constant 0 : i32
      %dma_wait3A_31 = tpu.memref_slice %arg6[%run_scoped3A, %dma_wait3A] : memref<1x80xi32, #tpu.memory_space<vmem>> -> memref<1x80xi32, #tpu.memory_space<vmem>>
      %dma_wait3A_32 = tpu.memref_squeeze %dma_wait3A_31 : memref<1x80xi32, #tpu.memory_space<vmem>> -> memref<80xi32, #tpu.memory_space<vmem>>
      %dma_wait3A_33 = arith.constant 0 : i32
      %dma_wait3A_34 = arith.constant 0 : i32
      %dma_wait3A_35 = tpu.memref_slice %arg7[%dma_wait3A_33, %dma_wait3A_34] : memref<80x128xf32, #tpu.memory_space<vmem_shared>> -> memref<80x128xf32, #tpu.memory_space<vmem_shared>>
      tpu.wait_indirect_dma semaphore(%run_scoped3A_25 : memref<!tpu.dma_semaphore, #tpu.memory_space<semaphore_mem>>) src(%arg5 : memref<80x128xf32, #tpu.memory_space<vmem>>) dst(%dma_wait3A_35 : memref<80x128xf32, #tpu.memory_space<vmem_shared>>)
      tpu.yield
    }) : () -> ()
    %barrier3A_24 = arith.constant 0 : index
    tpu.barrier barrier_id(%barrier3A_24)
    "tpu.region"() ({
      %run_scoped3A_25 = tpu.sem_alloc : memref<!tpu.dma_semaphore, #tpu.memory_space<semaphore_mem>>
      %dma_start3A = arith.constant 0 : i32
      %dma_start3A_26 = arith.constant 0 : i32
      %dma_start3A_27 = tpu.memref_slice %arg3[%arg0, %arg1, %dma_start3A, %dma_start3A_26] : memref<2x16x80x128xf32, #tpu.memory_space<hbm>> -> memref<1x1x80x128xf32, #tpu.memory_space<hbm>>
      %dma_start3A_28 = tpu.memref_squeeze %dma_start3A_27 : memref<1x1x80x128xf32, #tpu.memory_space<hbm>> -> memref<80x128xf32, #tpu.memory_space<hbm>>
      tpu.enqueue_dma source(%arg7 : memref<80x128xf32, #tpu.memory_space<vmem_shared>>) target(%dma_start3A_28 : memref<80x128xf32, #tpu.memory_space<hbm>>) target_semaphore(%run_scoped3A_25 : memref<!tpu.dma_semaphore, #tpu.memory_space<semaphore_mem>>)
      %dma_wait3A = arith.constant 0 : i32
      %dma_wait3A_29 = arith.constant 0 : i32
      %dma_wait3A_30 = tpu.memref_slice %arg3[%arg0, %arg1, %dma_wait3A, %dma_wait3A_29] : memref<2x16x80x128xf32, #tpu.memory_space<hbm>> -> memref<1x1x80x128xf32, #tpu.memory_space<hbm>>
      %dma_wait3A_31 = tpu.memref_squeeze %dma_wait3A_30 : memref<1x1x80x128xf32, #tpu.memory_space<hbm>> -> memref<80x128xf32, #tpu.memory_space<hbm>>
      tpu.wait_dma2 semaphore(%run_scoped3A_25 : memref<!tpu.dma_semaphore, #tpu.memory_space<semaphore_mem>>) src(%arg7 : memref<80x128xf32, #tpu.memory_space<vmem_shared>>) dst(%dma_wait3A_31 : memref<80x128xf32, #tpu.memory_space<hbm>>)
      tpu.yield
    }) : () -> ()
    return
  }
}

#map = affine_map<(d0, d1) -> (0, 0)>
#map1 = affine_map<(d0, d1) -> (0, 0, 0)>
#map2 = affine_map<(d0, d1) -> (0, 0, 0, 0)>
module attributes {stable_mosaic.version = 14 : i64} {
  func.func @agg(%arg0: i32, %arg1: i32, %arg2: memref<10000x128xf32, #tpu.memory_space<hbm>>, %arg3: memref<32x10000xi32, #tpu.memory_space<hbm>>, %arg4: memref<32x125x80xi32, #tpu.memory_space<hbm>>, %arg5: memref<625x128xf32, #tpu.memory_space<hbm>>, %arg6: memref<2x16x625x128xf32, #tpu.memory_space<hbm>>, %arg7: memref<10000xi32, #tpu.memory_space<vmem>>, %arg8: memref<125x80xi32, #tpu.memory_space<vmem>>, %arg9: memref<10000x128xf32, #tpu.memory_space<vmem_shared>>, %arg10: memref<80x128xf32, #tpu.memory_space<vmem>>, %arg11: memref<80x128xf32, #tpu.memory_space<vmem>>, %arg12: memref<!tpu.dma_semaphore, #tpu.memory_space<semaphore_mem>>, %arg13: memref<!tpu.dma_semaphore, #tpu.memory_space<semaphore_mem>>) attributes {dimension_semantics = [#tpu.dimension_semantics<core_parallel>, #tpu.dimension_semantics<subcore_parallel>], iteration_bounds = array<i64: 2, 16>, scalar_prefetch = 0 : i64, scratch_operands = 7 : i64, tpu.core_type = #tpu.core_type<sc_vector_subcore>, window_params = [{transform_indices = #map}, {transform_indices = #map}, {transform_indices = #map1}, {transform_indices = #map}, {transform_indices = #map2}]} {
    %mul3A = arith.constant 16 : i32
    %mul3A_0 = arith.muli %arg0, %mul3A : i32
    %add3A = arith.addi %mul3A_0, %arg1 : i32
    "tpu.region"() ({
      %run_scoped3A_45 = tpu.sem_alloc : memref<!tpu.dma_semaphore, #tpu.memory_space<semaphore_mem>>
      %dma_start3A_46 = arith.constant 0 : i32
      %dma_start3A_47 = tpu.memref_slice %arg3[%add3A, %dma_start3A_46] : memref<32x10000xi32, #tpu.memory_space<hbm>> -> memref<1x10000xi32, #tpu.memory_space<hbm>>
      %dma_start3A_48 = tpu.memref_squeeze %dma_start3A_47 : memref<1x10000xi32, #tpu.memory_space<hbm>> -> memref<10000xi32, #tpu.memory_space<hbm>>
      %dma_start3A_49 = arith.constant 0 : i32
      %dma_start3A_50 = tpu.memref_slice %arg3[%add3A, %dma_start3A_49] : memref<32x10000xi32, #tpu.memory_space<hbm>> -> memref<1x10000xi32, #tpu.memory_space<hbm>>
      %dma_start3A_51 = tpu.memref_squeeze %dma_start3A_50 : memref<1x10000xi32, #tpu.memory_space<hbm>> -> memref<10000xi32, #tpu.memory_space<hbm>>
      tpu.enqueue_dma source(%dma_start3A_51 : memref<10000xi32, #tpu.memory_space<hbm>>) target(%arg7 : memref<10000xi32, #tpu.memory_space<vmem>>) target_semaphore(%run_scoped3A_45 : memref<!tpu.dma_semaphore, #tpu.memory_space<semaphore_mem>>)
      %dma_wait3A_52 = arith.constant 0 : i32
      %dma_wait3A_53 = tpu.memref_slice %arg3[%add3A, %dma_wait3A_52] : memref<32x10000xi32, #tpu.memory_space<hbm>> -> memref<1x10000xi32, #tpu.memory_space<hbm>>
      %dma_wait3A_54 = tpu.memref_squeeze %dma_wait3A_53 : memref<1x10000xi32, #tpu.memory_space<hbm>> -> memref<10000xi32, #tpu.memory_space<hbm>>
      %dma_wait3A_55 = arith.constant 0 : i32
      %dma_wait3A_56 = tpu.memref_slice %arg3[%add3A, %dma_wait3A_55] : memref<32x10000xi32, #tpu.memory_space<hbm>> -> memref<1x10000xi32, #tpu.memory_space<hbm>>
      %dma_wait3A_57 = tpu.memref_squeeze %dma_wait3A_56 : memref<1x10000xi32, #tpu.memory_space<hbm>> -> memref<10000xi32, #tpu.memory_space<hbm>>
      tpu.wait_dma2 semaphore(%run_scoped3A_45 : memref<!tpu.dma_semaphore, #tpu.memory_space<semaphore_mem>>) src(%dma_wait3A_57 : memref<10000xi32, #tpu.memory_space<hbm>>) dst(%arg7 : memref<10000xi32, #tpu.memory_space<vmem>>)
      tpu.yield
    }) : () -> ()
    "tpu.region"() ({
      %run_scoped3A_45 = tpu.sem_alloc : memref<!tpu.dma_semaphore, #tpu.memory_space<semaphore_mem>>
      %dma_start3A_46 = arith.constant 0 : i32
      %dma_start3A_47 = arith.constant 0 : i32
      %dma_start3A_48 = tpu.memref_slice %arg4[%add3A, %dma_start3A_46, %dma_start3A_47] : memref<32x125x80xi32, #tpu.memory_space<hbm>> -> memref<1x125x80xi32, #tpu.memory_space<hbm>>
      %dma_start3A_49 = tpu.memref_squeeze %dma_start3A_48 : memref<1x125x80xi32, #tpu.memory_space<hbm>> -> memref<125x80xi32, #tpu.memory_space<hbm>>
      %dma_start3A_50 = arith.constant 0 : i32
      %dma_start3A_51 = arith.constant 0 : i32
      %dma_start3A_52 = tpu.memref_slice %arg4[%add3A, %dma_start3A_50, %dma_start3A_51] : memref<32x125x80xi32, #tpu.memory_space<hbm>> -> memref<1x125x80xi32, #tpu.memory_space<hbm>>
      %dma_start3A_53 = tpu.memref_squeeze %dma_start3A_52 : memref<1x125x80xi32, #tpu.memory_space<hbm>> -> memref<125x80xi32, #tpu.memory_space<hbm>>
      tpu.enqueue_dma source(%dma_start3A_53 : memref<125x80xi32, #tpu.memory_space<hbm>>) target(%arg8 : memref<125x80xi32, #tpu.memory_space<vmem>>) target_semaphore(%run_scoped3A_45 : memref<!tpu.dma_semaphore, #tpu.memory_space<semaphore_mem>>)
      %dma_wait3A_54 = arith.constant 0 : i32
      %dma_wait3A_55 = arith.constant 0 : i32
      %dma_wait3A_56 = tpu.memref_slice %arg4[%add3A, %dma_wait3A_54, %dma_wait3A_55] : memref<32x125x80xi32, #tpu.memory_space<hbm>> -> memref<1x125x80xi32, #tpu.memory_space<hbm>>
      %dma_wait3A_57 = tpu.memref_squeeze %dma_wait3A_56 : memref<1x125x80xi32, #tpu.memory_space<hbm>> -> memref<125x80xi32, #tpu.memory_space<hbm>>
      %dma_wait3A_58 = arith.constant 0 : i32
      %dma_wait3A_59 = arith.constant 0 : i32
      %dma_wait3A_60 = tpu.memref_slice %arg4[%add3A, %dma_wait3A_58, %dma_wait3A_59] : memref<32x125x80xi32, #tpu.memory_space<hbm>> -> memref<1x125x80xi32, #tpu.memory_space<hbm>>
      %dma_wait3A_61 = tpu.memref_squeeze %dma_wait3A_60 : memref<1x125x80xi32, #tpu.memory_space<hbm>> -> memref<125x80xi32, #tpu.memory_space<hbm>>
      tpu.wait_dma2 semaphore(%run_scoped3A_45 : memref<!tpu.dma_semaphore, #tpu.memory_space<semaphore_mem>>) src(%dma_wait3A_61 : memref<125x80xi32, #tpu.memory_space<hbm>>) dst(%arg8 : memref<125x80xi32, #tpu.memory_space<vmem>>)
      tpu.yield
    }) : () -> ()
    %mul3A_1 = arith.constant 625 : i32
    %mul3A_2 = arith.muli %arg1, %mul3A_1 : i32
    "tpu.region"() ({
      %run_scoped3A_45 = tpu.sem_alloc : memref<!tpu.dma_semaphore, #tpu.memory_space<semaphore_mem>>
      %dma_start3A_46 = arith.constant 0 : i32
      %dma_start3A_47 = tpu.memref_slice %arg9[%mul3A_2, %dma_start3A_46] : memref<10000x128xf32, #tpu.memory_space<vmem_shared>> -> memref<625x128xf32, #tpu.memory_space<vmem_shared>>
      tpu.enqueue_dma source(%arg5 : memref<625x128xf32, #tpu.memory_space<hbm>>) target(%dma_start3A_47 : memref<625x128xf32, #tpu.memory_space<vmem_shared>>) target_semaphore(%run_scoped3A_45 : memref<!tpu.dma_semaphore, #tpu.memory_space<semaphore_mem>>)
      %dma_wait3A_48 = arith.constant 0 : i32
      %dma_wait3A_49 = tpu.memref_slice %arg9[%mul3A_2, %dma_wait3A_48] : memref<10000x128xf32, #tpu.memory_space<vmem_shared>> -> memref<625x128xf32, #tpu.memory_space<vmem_shared>>
      tpu.wait_dma2 semaphore(%run_scoped3A_45 : memref<!tpu.dma_semaphore, #tpu.memory_space<semaphore_mem>>) src(%arg5 : memref<625x128xf32, #tpu.memory_space<hbm>>) dst(%dma_wait3A_49 : memref<625x128xf32, #tpu.memory_space<vmem_shared>>)
      tpu.yield
    }) : () -> ()
    %barrier3A = arith.constant 0 : index
    tpu.barrier barrier_id(%barrier3A)
    %dma_start3A = arith.constant 0 : i32
    %dma_start3A_3 = tpu.memref_slice %arg7[%dma_start3A] : memref<10000xi32, #tpu.memory_space<vmem>> -> memref<80xi32, #tpu.memory_space<vmem>>
    %dma_start3A_4 = arith.constant 0 : i32
    %dma_start3A_5 = arith.constant 0 : i32
    %dma_start3A_6 = tpu.memref_slice %arg2[%dma_start3A_4, %dma_start3A_5] : memref<10000x128xf32, #tpu.memory_space<hbm>> -> memref<10000x128xf32, #tpu.memory_space<hbm>>
    tpu.enqueue_indirect_dma source(%dma_start3A_6 : memref<10000x128xf32, #tpu.memory_space<hbm>>) target(%arg10 : memref<80x128xf32, #tpu.memory_space<vmem>>) offsets(%dma_start3A_3 : memref<80xi32, #tpu.memory_space<vmem>>) semaphore(%arg12 : memref<!tpu.dma_semaphore, #tpu.memory_space<semaphore_mem>>)
    %dma_start3A_7 = arith.constant 80 : i32
    %dma_start3A_8 = tpu.memref_slice %arg7[%dma_start3A_7] : memref<10000xi32, #tpu.memory_space<vmem>> -> memref<80xi32, #tpu.memory_space<vmem>>
    %dma_start3A_9 = arith.constant 0 : i32
    %dma_start3A_10 = arith.constant 0 : i32
    %dma_start3A_11 = tpu.memref_slice %arg2[%dma_start3A_9, %dma_start3A_10] : memref<10000x128xf32, #tpu.memory_space<hbm>> -> memref<10000x128xf32, #tpu.memory_space<hbm>>
    tpu.enqueue_indirect_dma source(%dma_start3A_11 : memref<10000x128xf32, #tpu.memory_space<hbm>>) target(%arg11 : memref<80x128xf32, #tpu.memory_space<vmem>>) offsets(%dma_start3A_8 : memref<80xi32, #tpu.memory_space<vmem>>) semaphore(%arg13 : memref<!tpu.dma_semaphore, #tpu.memory_space<semaphore_mem>>)
    %scan3A = arith.constant 0 : i32
    %scan3A_12 = arith.constant 0 : i32
    %scan3A_13 = arith.constant 61 : i32
    %scan3A_14 = arith.addi %scan3A_12, %scan3A_13 : i32
    %scan3A_15 = arith.constant 1 : i32
    %scan3A_16 = scf.for %scan3A_45 = %scan3A_12 to %scan3A_14 step %scan3A_15 iter_args(%scan3A_46 = %scan3A) -> (i32)  : i32 {
      %mul3A_47 = arith.constant 2 : i32
      %mul3A_48 = arith.muli %scan3A_45, %mul3A_47 : i32
      %add3A_49 = arith.constant 0 : i32
      %add3A_50 = arith.addi %mul3A_48, %add3A_49 : i32
      %dma_wait3A_51 = arith.constant 0 : i32
      %dma_wait3A_52 = arith.constant 0 : i32
      %dma_wait3A_53 = tpu.memref_slice %arg2[%dma_wait3A_51, %dma_wait3A_52] : memref<10000x128xf32, #tpu.memory_space<hbm>> -> memref<80x128xf32, #tpu.memory_space<hbm>>
      %dma_wait3A_54 = arith.constant 0 : i32
      %dma_wait3A_55 = arith.constant 0 : i32
      %dma_wait3A_56 = tpu.memref_slice %arg2[%dma_wait3A_54, %dma_wait3A_55] : memref<10000x128xf32, #tpu.memory_space<hbm>> -> memref<80x128xf32, #tpu.memory_space<hbm>>
      tpu.wait_dma2 semaphore(%arg12 : memref<!tpu.dma_semaphore, #tpu.memory_space<semaphore_mem>>) src(%dma_wait3A_56 : memref<80x128xf32, #tpu.memory_space<hbm>>) dst(%arg10 : memref<80x128xf32, #tpu.memory_space<vmem>>)
      "tpu.region"() ({
        %run_scoped3A_84 = tpu.sem_alloc : memref<!tpu.dma_semaphore, #tpu.memory_space<semaphore_mem>>
        %dma_start3A_85 = arith.constant 0 : i32
        %dma_start3A_86 = tpu.memref_slice %arg8[%add3A_50, %dma_start3A_85] : memref<125x80xi32, #tpu.memory_space<vmem>> -> memref<1x80xi32, #tpu.memory_space<vmem>>
        %dma_start3A_87 = tpu.memref_squeeze %dma_start3A_86 : memref<1x80xi32, #tpu.memory_space<vmem>> -> memref<80xi32, #tpu.memory_space<vmem>>
        %dma_start3A_88 = arith.constant 0 : i32
        %dma_start3A_89 = arith.constant 0 : i32
        %dma_start3A_90 = tpu.memref_slice %arg9[%dma_start3A_88, %dma_start3A_89] : memref<10000x128xf32, #tpu.memory_space<vmem_shared>> -> memref<10000x128xf32, #tpu.memory_space<vmem_shared>>
        tpu.enqueue_indirect_dma source(%arg10 : memref<80x128xf32, #tpu.memory_space<vmem>>) target(%dma_start3A_90 : memref<10000x128xf32, #tpu.memory_space<vmem_shared>>) offsets(%dma_start3A_87 : memref<80xi32, #tpu.memory_space<vmem>>) semaphore(%run_scoped3A_84 : memref<!tpu.dma_semaphore, #tpu.memory_space<semaphore_mem>>) {add = true}
        %dma_wait3A_91 = arith.constant 0 : i32
        %dma_wait3A_92 = tpu.memref_slice %arg8[%add3A_50, %dma_wait3A_91] : memref<125x80xi32, #tpu.memory_space<vmem>> -> memref<1x80xi32, #tpu.memory_space<vmem>>
        %dma_wait3A_93 = tpu.memref_squeeze %dma_wait3A_92 : memref<1x80xi32, #tpu.memory_space<vmem>> -> memref<80xi32, #tpu.memory_space<vmem>>
        %dma_wait3A_94 = arith.constant 0 : i32
        %dma_wait3A_95 = arith.constant 0 : i32
        %dma_wait3A_96 = tpu.memref_slice %arg9[%dma_wait3A_94, %dma_wait3A_95] : memref<10000x128xf32, #tpu.memory_space<vmem_shared>> -> memref<10000x128xf32, #tpu.memory_space<vmem_shared>>
        tpu.wait_indirect_dma semaphore(%run_scoped3A_84 : memref<!tpu.dma_semaphore, #tpu.memory_space<semaphore_mem>>) src(%arg10 : memref<80x128xf32, #tpu.memory_space<vmem>>) dst(%dma_wait3A_96 : memref<10000x128xf32, #tpu.memory_space<vmem_shared>>)
        tpu.yield
      }) : () -> ()
      %add3A_57 = arith.constant 2 : i32
      %add3A_58 = arith.addi %add3A_50, %add3A_57 : i32
      %mul3A_59 = arith.constant 80 : i32
      %mul3A_60 = arith.muli %add3A_58, %mul3A_59 : i32
      %dma_start3A_61 = tpu.memref_slice %arg7[%mul3A_60] : memref<10000xi32, #tpu.memory_space<vmem>> -> memref<80xi32, #tpu.memory_space<vmem>>
      %dma_start3A_62 = arith.constant 0 : i32
      %dma_start3A_63 = arith.constant 0 : i32
      %dma_start3A_64 = tpu.memref_slice %arg2[%dma_start3A_62, %dma_start3A_63] : memref<10000x128xf32, #tpu.memory_space<hbm>> -> memref<10000x128xf32, #tpu.memory_space<hbm>>
      tpu.enqueue_indirect_dma source(%dma_start3A_64 : memref<10000x128xf32, #tpu.memory_space<hbm>>) target(%arg10 : memref<80x128xf32, #tpu.memory_space<vmem>>) offsets(%dma_start3A_61 : memref<80xi32, #tpu.memory_space<vmem>>) semaphore(%arg12 : memref<!tpu.dma_semaphore, #tpu.memory_space<semaphore_mem>>)
      %mul3A_65 = arith.constant 2 : i32
      %mul3A_66 = arith.muli %scan3A_45, %mul3A_65 : i32
      %add3A_67 = arith.constant 1 : i32
      %add3A_68 = arith.addi %mul3A_66, %add3A_67 : i32
      %dma_wait3A_69 = arith.constant 0 : i32
      %dma_wait3A_70 = arith.constant 0 : i32
      %dma_wait3A_71 = tpu.memref_slice %arg2[%dma_wait3A_69, %dma_wait3A_70] : memref<10000x128xf32, #tpu.memory_space<hbm>> -> memref<80x128xf32, #tpu.memory_space<hbm>>
      %dma_wait3A_72 = arith.constant 0 : i32
      %dma_wait3A_73 = arith.constant 0 : i32
      %dma_wait3A_74 = tpu.memref_slice %arg2[%dma_wait3A_72, %dma_wait3A_73] : memref<10000x128xf32, #tpu.memory_space<hbm>> -> memref<80x128xf32, #tpu.memory_space<hbm>>
      tpu.wait_dma2 semaphore(%arg13 : memref<!tpu.dma_semaphore, #tpu.memory_space<semaphore_mem>>) src(%dma_wait3A_74 : memref<80x128xf32, #tpu.memory_space<hbm>>) dst(%arg11 : memref<80x128xf32, #tpu.memory_space<vmem>>)
      "tpu.region"() ({
        %run_scoped3A_84 = tpu.sem_alloc : memref<!tpu.dma_semaphore, #tpu.memory_space<semaphore_mem>>
        %dma_start3A_85 = arith.constant 0 : i32
        %dma_start3A_86 = tpu.memref_slice %arg8[%add3A_68, %dma_start3A_85] : memref<125x80xi32, #tpu.memory_space<vmem>> -> memref<1x80xi32, #tpu.memory_space<vmem>>
        %dma_start3A_87 = tpu.memref_squeeze %dma_start3A_86 : memref<1x80xi32, #tpu.memory_space<vmem>> -> memref<80xi32, #tpu.memory_space<vmem>>
        %dma_start3A_88 = arith.constant 0 : i32
        %dma_start3A_89 = arith.constant 0 : i32
        %dma_start3A_90 = tpu.memref_slice %arg9[%dma_start3A_88, %dma_start3A_89] : memref<10000x128xf32, #tpu.memory_space<vmem_shared>> -> memref<10000x128xf32, #tpu.memory_space<vmem_shared>>
        tpu.enqueue_indirect_dma source(%arg11 : memref<80x128xf32, #tpu.memory_space<vmem>>) target(%dma_start3A_90 : memref<10000x128xf32, #tpu.memory_space<vmem_shared>>) offsets(%dma_start3A_87 : memref<80xi32, #tpu.memory_space<vmem>>) semaphore(%run_scoped3A_84 : memref<!tpu.dma_semaphore, #tpu.memory_space<semaphore_mem>>) {add = true}
        %dma_wait3A_91 = arith.constant 0 : i32
        %dma_wait3A_92 = tpu.memref_slice %arg8[%add3A_68, %dma_wait3A_91] : memref<125x80xi32, #tpu.memory_space<vmem>> -> memref<1x80xi32, #tpu.memory_space<vmem>>
        %dma_wait3A_93 = tpu.memref_squeeze %dma_wait3A_92 : memref<1x80xi32, #tpu.memory_space<vmem>> -> memref<80xi32, #tpu.memory_space<vmem>>
        %dma_wait3A_94 = arith.constant 0 : i32
        %dma_wait3A_95 = arith.constant 0 : i32
        %dma_wait3A_96 = tpu.memref_slice %arg9[%dma_wait3A_94, %dma_wait3A_95] : memref<10000x128xf32, #tpu.memory_space<vmem_shared>> -> memref<10000x128xf32, #tpu.memory_space<vmem_shared>>
        tpu.wait_indirect_dma semaphore(%run_scoped3A_84 : memref<!tpu.dma_semaphore, #tpu.memory_space<semaphore_mem>>) src(%arg11 : memref<80x128xf32, #tpu.memory_space<vmem>>) dst(%dma_wait3A_96 : memref<10000x128xf32, #tpu.memory_space<vmem_shared>>)
        tpu.yield
      }) : () -> ()
      %add3A_75 = arith.constant 2 : i32
      %add3A_76 = arith.addi %add3A_68, %add3A_75 : i32
      %mul3A_77 = arith.constant 80 : i32
      %mul3A_78 = arith.muli %add3A_76, %mul3A_77 : i32
      %dma_start3A_79 = tpu.memref_slice %arg7[%mul3A_78] : memref<10000xi32, #tpu.memory_space<vmem>> -> memref<80xi32, #tpu.memory_space<vmem>>
      %dma_start3A_80 = arith.constant 0 : i32
      %dma_start3A_81 = arith.constant 0 : i32
      %dma_start3A_82 = tpu.memref_slice %arg2[%dma_start3A_80, %dma_start3A_81] : memref<10000x128xf32, #tpu.memory_space<hbm>> -> memref<10000x128xf32, #tpu.memory_space<hbm>>
      tpu.enqueue_indirect_dma source(%dma_start3A_82 : memref<10000x128xf32, #tpu.memory_space<hbm>>) target(%arg11 : memref<80x128xf32, #tpu.memory_space<vmem>>) offsets(%dma_start3A_79 : memref<80xi32, #tpu.memory_space<vmem>>) semaphore(%arg13 : memref<!tpu.dma_semaphore, #tpu.memory_space<semaphore_mem>>)
      %scan3A_83 = arith.constant 0 : i32
      scf.yield %scan3A_83 : i32
    }
    %scan3A_17 = arith.constant 61 : i32
    %dma_wait3A = arith.constant 0 : i32
    %dma_wait3A_18 = arith.constant 0 : i32
    %dma_wait3A_19 = tpu.memref_slice %arg2[%dma_wait3A, %dma_wait3A_18] : memref<10000x128xf32, #tpu.memory_space<hbm>> -> memref<80x128xf32, #tpu.memory_space<hbm>>
    %dma_wait3A_20 = arith.constant 0 : i32
    %dma_wait3A_21 = arith.constant 0 : i32
    %dma_wait3A_22 = tpu.memref_slice %arg2[%dma_wait3A_20, %dma_wait3A_21] : memref<10000x128xf32, #tpu.memory_space<hbm>> -> memref<80x128xf32, #tpu.memory_space<hbm>>
    tpu.wait_dma2 semaphore(%arg12 : memref<!tpu.dma_semaphore, #tpu.memory_space<semaphore_mem>>) src(%dma_wait3A_22 : memref<80x128xf32, #tpu.memory_space<hbm>>) dst(%arg10 : memref<80x128xf32, #tpu.memory_space<vmem>>)
    %run_scoped3A = arith.constant 122 : i32
    "tpu.region"() ({
      %run_scoped3A_45 = tpu.sem_alloc : memref<!tpu.dma_semaphore, #tpu.memory_space<semaphore_mem>>
      %dma_start3A_46 = arith.constant 0 : i32
      %dma_start3A_47 = tpu.memref_slice %arg8[%run_scoped3A, %dma_start3A_46] : memref<125x80xi32, #tpu.memory_space<vmem>> -> memref<1x80xi32, #tpu.memory_space<vmem>>
      %dma_start3A_48 = tpu.memref_squeeze %dma_start3A_47 : memref<1x80xi32, #tpu.memory_space<vmem>> -> memref<80xi32, #tpu.memory_space<vmem>>
      %dma_start3A_49 = arith.constant 0 : i32
      %dma_start3A_50 = arith.constant 0 : i32
      %dma_start3A_51 = tpu.memref_slice %arg9[%dma_start3A_49, %dma_start3A_50] : memref<10000x128xf32, #tpu.memory_space<vmem_shared>> -> memref<10000x128xf32, #tpu.memory_space<vmem_shared>>
      tpu.enqueue_indirect_dma source(%arg10 : memref<80x128xf32, #tpu.memory_space<vmem>>) target(%dma_start3A_51 : memref<10000x128xf32, #tpu.memory_space<vmem_shared>>) offsets(%dma_start3A_48 : memref<80xi32, #tpu.memory_space<vmem>>) semaphore(%run_scoped3A_45 : memref<!tpu.dma_semaphore, #tpu.memory_space<semaphore_mem>>) {add = true}
      %dma_wait3A_52 = arith.constant 0 : i32
      %dma_wait3A_53 = tpu.memref_slice %arg8[%run_scoped3A, %dma_wait3A_52] : memref<125x80xi32, #tpu.memory_space<vmem>> -> memref<1x80xi32, #tpu.memory_space<vmem>>
      %dma_wait3A_54 = tpu.memref_squeeze %dma_wait3A_53 : memref<1x80xi32, #tpu.memory_space<vmem>> -> memref<80xi32, #tpu.memory_space<vmem>>
      %dma_wait3A_55 = arith.constant 0 : i32
      %dma_wait3A_56 = arith.constant 0 : i32
      %dma_wait3A_57 = tpu.memref_slice %arg9[%dma_wait3A_55, %dma_wait3A_56] : memref<10000x128xf32, #tpu.memory_space<vmem_shared>> -> memref<10000x128xf32, #tpu.memory_space<vmem_shared>>
      tpu.wait_indirect_dma semaphore(%run_scoped3A_45 : memref<!tpu.dma_semaphore, #tpu.memory_space<semaphore_mem>>) src(%arg10 : memref<80x128xf32, #tpu.memory_space<vmem>>) dst(%dma_wait3A_57 : memref<10000x128xf32, #tpu.memory_space<vmem_shared>>)
      tpu.yield
    }) : () -> ()
    %dma_start3A_23 = arith.constant 9920 : i32
    %dma_start3A_24 = tpu.memref_slice %arg7[%dma_start3A_23] : memref<10000xi32, #tpu.memory_space<vmem>> -> memref<80xi32, #tpu.memory_space<vmem>>
    %dma_start3A_25 = arith.constant 0 : i32
    %dma_start3A_26 = arith.constant 0 : i32
    %dma_start3A_27 = tpu.memref_slice %arg2[%dma_start3A_25, %dma_start3A_26] : memref<10000x128xf32, #tpu.memory_space<hbm>> -> memref<10000x128xf32, #tpu.memory_space<hbm>>
    tpu.enqueue_indirect_dma source(%dma_start3A_27 : memref<10000x128xf32, #tpu.memory_space<hbm>>) target(%arg10 : memref<80x128xf32, #tpu.memory_space<vmem>>) offsets(%dma_start3A_24 : memref<80xi32, #tpu.memory_space<vmem>>) semaphore(%arg12 : memref<!tpu.dma_semaphore, #tpu.memory_space<semaphore_mem>>)
    %dma_wait3A_28 = arith.constant 0 : i32
    %dma_wait3A_29 = arith.constant 0 : i32
    %dma_wait3A_30 = tpu.memref_slice %arg2[%dma_wait3A_28, %dma_wait3A_29] : memref<10000x128xf32, #tpu.memory_space<hbm>> -> memref<80x128xf32, #tpu.memory_space<hbm>>
    %dma_wait3A_31 = arith.constant 0 : i32
    %dma_wait3A_32 = arith.constant 0 : i32
    %dma_wait3A_33 = tpu.memref_slice %arg2[%dma_wait3A_31, %dma_wait3A_32] : memref<10000x128xf32, #tpu.memory_space<hbm>> -> memref<80x128xf32, #tpu.memory_space<hbm>>
    tpu.wait_dma2 semaphore(%arg13 : memref<!tpu.dma_semaphore, #tpu.memory_space<semaphore_mem>>) src(%dma_wait3A_33 : memref<80x128xf32, #tpu.memory_space<hbm>>) dst(%arg11 : memref<80x128xf32, #tpu.memory_space<vmem>>)
    %run_scoped3A_34 = arith.constant 123 : i32
    "tpu.region"() ({
      %run_scoped3A_45 = tpu.sem_alloc : memref<!tpu.dma_semaphore, #tpu.memory_space<semaphore_mem>>
      %dma_start3A_46 = arith.constant 0 : i32
      %dma_start3A_47 = tpu.memref_slice %arg8[%run_scoped3A_34, %dma_start3A_46] : memref<125x80xi32, #tpu.memory_space<vmem>> -> memref<1x80xi32, #tpu.memory_space<vmem>>
      %dma_start3A_48 = tpu.memref_squeeze %dma_start3A_47 : memref<1x80xi32, #tpu.memory_space<vmem>> -> memref<80xi32, #tpu.memory_space<vmem>>
      %dma_start3A_49 = arith.constant 0 : i32
      %dma_start3A_50 = arith.constant 0 : i32
      %dma_start3A_51 = tpu.memref_slice %arg9[%dma_start3A_49, %dma_start3A_50] : memref<10000x128xf32, #tpu.memory_space<vmem_shared>> -> memref<10000x128xf32, #tpu.memory_space<vmem_shared>>
      tpu.enqueue_indirect_dma source(%arg11 : memref<80x128xf32, #tpu.memory_space<vmem>>) target(%dma_start3A_51 : memref<10000x128xf32, #tpu.memory_space<vmem_shared>>) offsets(%dma_start3A_48 : memref<80xi32, #tpu.memory_space<vmem>>) semaphore(%run_scoped3A_45 : memref<!tpu.dma_semaphore, #tpu.memory_space<semaphore_mem>>) {add = true}
      %dma_wait3A_52 = arith.constant 0 : i32
      %dma_wait3A_53 = tpu.memref_slice %arg8[%run_scoped3A_34, %dma_wait3A_52] : memref<125x80xi32, #tpu.memory_space<vmem>> -> memref<1x80xi32, #tpu.memory_space<vmem>>
      %dma_wait3A_54 = tpu.memref_squeeze %dma_wait3A_53 : memref<1x80xi32, #tpu.memory_space<vmem>> -> memref<80xi32, #tpu.memory_space<vmem>>
      %dma_wait3A_55 = arith.constant 0 : i32
      %dma_wait3A_56 = arith.constant 0 : i32
      %dma_wait3A_57 = tpu.memref_slice %arg9[%dma_wait3A_55, %dma_wait3A_56] : memref<10000x128xf32, #tpu.memory_space<vmem_shared>> -> memref<10000x128xf32, #tpu.memory_space<vmem_shared>>
      tpu.wait_indirect_dma semaphore(%run_scoped3A_45 : memref<!tpu.dma_semaphore, #tpu.memory_space<semaphore_mem>>) src(%arg11 : memref<80x128xf32, #tpu.memory_space<vmem>>) dst(%dma_wait3A_57 : memref<10000x128xf32, #tpu.memory_space<vmem_shared>>)
      tpu.yield
    }) : () -> ()
    %dma_wait3A_35 = arith.constant 0 : i32
    %dma_wait3A_36 = arith.constant 0 : i32
    %dma_wait3A_37 = tpu.memref_slice %arg2[%dma_wait3A_35, %dma_wait3A_36] : memref<10000x128xf32, #tpu.memory_space<hbm>> -> memref<80x128xf32, #tpu.memory_space<hbm>>
    %dma_wait3A_38 = arith.constant 0 : i32
    %dma_wait3A_39 = arith.constant 0 : i32
    %dma_wait3A_40 = tpu.memref_slice %arg2[%dma_wait3A_38, %dma_wait3A_39] : memref<10000x128xf32, #tpu.memory_space<hbm>> -> memref<80x128xf32, #tpu.memory_space<hbm>>
    tpu.wait_dma2 semaphore(%arg12 : memref<!tpu.dma_semaphore, #tpu.memory_space<semaphore_mem>>) src(%dma_wait3A_40 : memref<80x128xf32, #tpu.memory_space<hbm>>) dst(%arg10 : memref<80x128xf32, #tpu.memory_space<vmem>>)
    %run_scoped3A_41 = arith.constant 124 : i32
    "tpu.region"() ({
      %run_scoped3A_45 = tpu.sem_alloc : memref<!tpu.dma_semaphore, #tpu.memory_space<semaphore_mem>>
      %dma_start3A_46 = arith.constant 0 : i32
      %dma_start3A_47 = tpu.memref_slice %arg8[%run_scoped3A_41, %dma_start3A_46] : memref<125x80xi32, #tpu.memory_space<vmem>> -> memref<1x80xi32, #tpu.memory_space<vmem>>
      %dma_start3A_48 = tpu.memref_squeeze %dma_start3A_47 : memref<1x80xi32, #tpu.memory_space<vmem>> -> memref<80xi32, #tpu.memory_space<vmem>>
      %dma_start3A_49 = arith.constant 0 : i32
      %dma_start3A_50 = arith.constant 0 : i32
      %dma_start3A_51 = tpu.memref_slice %arg9[%dma_start3A_49, %dma_start3A_50] : memref<10000x128xf32, #tpu.memory_space<vmem_shared>> -> memref<10000x128xf32, #tpu.memory_space<vmem_shared>>
      tpu.enqueue_indirect_dma source(%arg10 : memref<80x128xf32, #tpu.memory_space<vmem>>) target(%dma_start3A_51 : memref<10000x128xf32, #tpu.memory_space<vmem_shared>>) offsets(%dma_start3A_48 : memref<80xi32, #tpu.memory_space<vmem>>) semaphore(%run_scoped3A_45 : memref<!tpu.dma_semaphore, #tpu.memory_space<semaphore_mem>>) {add = true}
      %dma_wait3A_52 = arith.constant 0 : i32
      %dma_wait3A_53 = tpu.memref_slice %arg8[%run_scoped3A_41, %dma_wait3A_52] : memref<125x80xi32, #tpu.memory_space<vmem>> -> memref<1x80xi32, #tpu.memory_space<vmem>>
      %dma_wait3A_54 = tpu.memref_squeeze %dma_wait3A_53 : memref<1x80xi32, #tpu.memory_space<vmem>> -> memref<80xi32, #tpu.memory_space<vmem>>
      %dma_wait3A_55 = arith.constant 0 : i32
      %dma_wait3A_56 = arith.constant 0 : i32
      %dma_wait3A_57 = tpu.memref_slice %arg9[%dma_wait3A_55, %dma_wait3A_56] : memref<10000x128xf32, #tpu.memory_space<vmem_shared>> -> memref<10000x128xf32, #tpu.memory_space<vmem_shared>>
      tpu.wait_indirect_dma semaphore(%run_scoped3A_45 : memref<!tpu.dma_semaphore, #tpu.memory_space<semaphore_mem>>) src(%arg10 : memref<80x128xf32, #tpu.memory_space<vmem>>) dst(%dma_wait3A_57 : memref<10000x128xf32, #tpu.memory_space<vmem_shared>>)
      tpu.yield
    }) : () -> ()
    %barrier3A_42 = arith.constant 0 : index
    tpu.barrier barrier_id(%barrier3A_42)
    %mul3A_43 = arith.constant 625 : i32
    %mul3A_44 = arith.muli %arg1, %mul3A_43 : i32
    "tpu.region"() ({
      %run_scoped3A_45 = tpu.sem_alloc : memref<!tpu.dma_semaphore, #tpu.memory_space<semaphore_mem>>
      %dma_start3A_46 = arith.constant 0 : i32
      %dma_start3A_47 = arith.constant 0 : i32
      %dma_start3A_48 = tpu.memref_slice %arg6[%arg0, %arg1, %dma_start3A_46, %dma_start3A_47] : memref<2x16x625x128xf32, #tpu.memory_space<hbm>> -> memref<1x1x625x128xf32, #tpu.memory_space<hbm>>
      %dma_start3A_49 = tpu.memref_squeeze %dma_start3A_48 : memref<1x1x625x128xf32, #tpu.memory_space<hbm>> -> memref<625x128xf32, #tpu.memory_space<hbm>>
      %dma_start3A_50 = arith.constant 0 : i32
      %dma_start3A_51 = tpu.memref_slice %arg9[%mul3A_44, %dma_start3A_50] : memref<10000x128xf32, #tpu.memory_space<vmem_shared>> -> memref<625x128xf32, #tpu.memory_space<vmem_shared>>
      tpu.enqueue_dma source(%dma_start3A_51 : memref<625x128xf32, #tpu.memory_space<vmem_shared>>) target(%dma_start3A_49 : memref<625x128xf32, #tpu.memory_space<hbm>>) target_semaphore(%run_scoped3A_45 : memref<!tpu.dma_semaphore, #tpu.memory_space<semaphore_mem>>)
      %dma_wait3A_52 = arith.constant 0 : i32
      %dma_wait3A_53 = arith.constant 0 : i32
      %dma_wait3A_54 = tpu.memref_slice %arg6[%arg0, %arg1, %dma_wait3A_52, %dma_wait3A_53] : memref<2x16x625x128xf32, #tpu.memory_space<hbm>> -> memref<1x1x625x128xf32, #tpu.memory_space<hbm>>
      %dma_wait3A_55 = tpu.memref_squeeze %dma_wait3A_54 : memref<1x1x625x128xf32, #tpu.memory_space<hbm>> -> memref<625x128xf32, #tpu.memory_space<hbm>>
      %dma_wait3A_56 = arith.constant 0 : i32
      %dma_wait3A_57 = tpu.memref_slice %arg9[%mul3A_44, %dma_wait3A_56] : memref<10000x128xf32, #tpu.memory_space<vmem_shared>> -> memref<625x128xf32, #tpu.memory_space<vmem_shared>>
      tpu.wait_dma2 semaphore(%run_scoped3A_45 : memref<!tpu.dma_semaphore, #tpu.memory_space<semaphore_mem>>) src(%dma_wait3A_57 : memref<625x128xf32, #tpu.memory_space<vmem_shared>>) dst(%dma_wait3A_55 : memref<625x128xf32, #tpu.memory_space<hbm>>)
      tpu.yield
    }) : () -> ()
    return
  }
}

#map = affine_map<(d0, d1) -> (0, 0)>
#map1 = affine_map<(d0, d1) -> (0, 0, 0)>
#map2 = affine_map<(d0, d1) -> (0, 0, 0, 0)>
module attributes {stable_mosaic.version = 14 : i64} {
  func.func @agg(%arg0: i32, %arg1: i32, %arg2: memref<10000x128xf32, #tpu.memory_space<hbm>>, %arg3: memref<32x10000xi32, #tpu.memory_space<hbm>>, %arg4: memref<32x125x80xi32, #tpu.memory_space<hbm>>, %arg5: memref<625x128xf32, #tpu.memory_space<hbm>>, %arg6: memref<2x16x625x128xf32, #tpu.memory_space<hbm>>, %arg7: memref<10000xi32, #tpu.memory_space<vmem>>, %arg8: memref<125x80xi32, #tpu.memory_space<vmem>>, %arg9: memref<10000x128xf32, #tpu.memory_space<vmem_shared>>, %arg10: memref<80x128xf32, #tpu.memory_space<vmem>>, %arg11: memref<80x128xf32, #tpu.memory_space<vmem>>, %arg12: memref<!tpu.dma_semaphore, #tpu.memory_space<semaphore_mem>>, %arg13: memref<!tpu.dma_semaphore, #tpu.memory_space<semaphore_mem>>) attributes {dimension_semantics = [#tpu.dimension_semantics<core_parallel>, #tpu.dimension_semantics<subcore_parallel>], iteration_bounds = array<i64: 2, 16>, scalar_prefetch = 0 : i64, scratch_operands = 7 : i64, tpu.core_type = #tpu.core_type<sc_vector_subcore>, window_params = [{transform_indices = #map}, {transform_indices = #map}, {transform_indices = #map1}, {transform_indices = #map}, {transform_indices = #map2}]} {
    %mul3A = arith.constant 16 : i32
    %mul3A_0 = arith.muli %arg0, %mul3A : i32
    %add3A = arith.addi %mul3A_0, %arg1 : i32
    "tpu.region"() ({
      %run_scoped3A_45 = tpu.sem_alloc : memref<!tpu.dma_semaphore, #tpu.memory_space<semaphore_mem>>
      %dma_start3A_46 = arith.constant 0 : i32
      %dma_start3A_47 = tpu.memref_slice %arg3[%add3A, %dma_start3A_46] : memref<32x10000xi32, #tpu.memory_space<hbm>> -> memref<1x10000xi32, #tpu.memory_space<hbm>>
      %dma_start3A_48 = tpu.memref_squeeze %dma_start3A_47 : memref<1x10000xi32, #tpu.memory_space<hbm>> -> memref<10000xi32, #tpu.memory_space<hbm>>
      %dma_start3A_49 = arith.constant 0 : i32
      %dma_start3A_50 = tpu.memref_slice %arg3[%add3A, %dma_start3A_49] : memref<32x10000xi32, #tpu.memory_space<hbm>> -> memref<1x10000xi32, #tpu.memory_space<hbm>>
      %dma_start3A_51 = tpu.memref_squeeze %dma_start3A_50 : memref<1x10000xi32, #tpu.memory_space<hbm>> -> memref<10000xi32, #tpu.memory_space<hbm>>
      tpu.enqueue_dma source(%dma_start3A_51 : memref<10000xi32, #tpu.memory_space<hbm>>) target(%arg7 : memref<10000xi32, #tpu.memory_space<vmem>>) target_semaphore(%run_scoped3A_45 : memref<!tpu.dma_semaphore, #tpu.memory_space<semaphore_mem>>)
      %dma_wait3A_52 = arith.constant 0 : i32
      %dma_wait3A_53 = tpu.memref_slice %arg3[%add3A, %dma_wait3A_52] : memref<32x10000xi32, #tpu.memory_space<hbm>> -> memref<1x10000xi32, #tpu.memory_space<hbm>>
      %dma_wait3A_54 = tpu.memref_squeeze %dma_wait3A_53 : memref<1x10000xi32, #tpu.memory_space<hbm>> -> memref<10000xi32, #tpu.memory_space<hbm>>
      %dma_wait3A_55 = arith.constant 0 : i32
      %dma_wait3A_56 = tpu.memref_slice %arg3[%add3A, %dma_wait3A_55] : memref<32x10000xi32, #tpu.memory_space<hbm>> -> memref<1x10000xi32, #tpu.memory_space<hbm>>
      %dma_wait3A_57 = tpu.memref_squeeze %dma_wait3A_56 : memref<1x10000xi32, #tpu.memory_space<hbm>> -> memref<10000xi32, #tpu.memory_space<hbm>>
      tpu.wait_dma2 semaphore(%run_scoped3A_45 : memref<!tpu.dma_semaphore, #tpu.memory_space<semaphore_mem>>) src(%dma_wait3A_57 : memref<10000xi32, #tpu.memory_space<hbm>>) dst(%arg7 : memref<10000xi32, #tpu.memory_space<vmem>>)
      tpu.yield
    }) : () -> ()
    "tpu.region"() ({
      %run_scoped3A_45 = tpu.sem_alloc : memref<!tpu.dma_semaphore, #tpu.memory_space<semaphore_mem>>
      %dma_start3A_46 = arith.constant 0 : i32
      %dma_start3A_47 = arith.constant 0 : i32
      %dma_start3A_48 = tpu.memref_slice %arg4[%add3A, %dma_start3A_46, %dma_start3A_47] : memref<32x125x80xi32, #tpu.memory_space<hbm>> -> memref<1x125x80xi32, #tpu.memory_space<hbm>>
      %dma_start3A_49 = tpu.memref_squeeze %dma_start3A_48 : memref<1x125x80xi32, #tpu.memory_space<hbm>> -> memref<125x80xi32, #tpu.memory_space<hbm>>
      %dma_start3A_50 = arith.constant 0 : i32
      %dma_start3A_51 = arith.constant 0 : i32
      %dma_start3A_52 = tpu.memref_slice %arg4[%add3A, %dma_start3A_50, %dma_start3A_51] : memref<32x125x80xi32, #tpu.memory_space<hbm>> -> memref<1x125x80xi32, #tpu.memory_space<hbm>>
      %dma_start3A_53 = tpu.memref_squeeze %dma_start3A_52 : memref<1x125x80xi32, #tpu.memory_space<hbm>> -> memref<125x80xi32, #tpu.memory_space<hbm>>
      tpu.enqueue_dma source(%dma_start3A_53 : memref<125x80xi32, #tpu.memory_space<hbm>>) target(%arg8 : memref<125x80xi32, #tpu.memory_space<vmem>>) target_semaphore(%run_scoped3A_45 : memref<!tpu.dma_semaphore, #tpu.memory_space<semaphore_mem>>)
      %dma_wait3A_54 = arith.constant 0 : i32
      %dma_wait3A_55 = arith.constant 0 : i32
      %dma_wait3A_56 = tpu.memref_slice %arg4[%add3A, %dma_wait3A_54, %dma_wait3A_55] : memref<32x125x80xi32, #tpu.memory_space<hbm>> -> memref<1x125x80xi32, #tpu.memory_space<hbm>>
      %dma_wait3A_57 = tpu.memref_squeeze %dma_wait3A_56 : memref<1x125x80xi32, #tpu.memory_space<hbm>> -> memref<125x80xi32, #tpu.memory_space<hbm>>
      %dma_wait3A_58 = arith.constant 0 : i32
      %dma_wait3A_59 = arith.constant 0 : i32
      %dma_wait3A_60 = tpu.memref_slice %arg4[%add3A, %dma_wait3A_58, %dma_wait3A_59] : memref<32x125x80xi32, #tpu.memory_space<hbm>> -> memref<1x125x80xi32, #tpu.memory_space<hbm>>
      %dma_wait3A_61 = tpu.memref_squeeze %dma_wait3A_60 : memref<1x125x80xi32, #tpu.memory_space<hbm>> -> memref<125x80xi32, #tpu.memory_space<hbm>>
      tpu.wait_dma2 semaphore(%run_scoped3A_45 : memref<!tpu.dma_semaphore, #tpu.memory_space<semaphore_mem>>) src(%dma_wait3A_61 : memref<125x80xi32, #tpu.memory_space<hbm>>) dst(%arg8 : memref<125x80xi32, #tpu.memory_space<vmem>>)
      tpu.yield
    }) : () -> ()
    %mul3A_1 = arith.constant 625 : i32
    %mul3A_2 = arith.muli %arg1, %mul3A_1 : i32
    "tpu.region"() ({
      %run_scoped3A_45 = tpu.sem_alloc : memref<!tpu.dma_semaphore, #tpu.memory_space<semaphore_mem>>
      %dma_start3A_46 = arith.constant 0 : i32
      %dma_start3A_47 = tpu.memref_slice %arg9[%mul3A_2, %dma_start3A_46] : memref<10000x128xf32, #tpu.memory_space<vmem_shared>> -> memref<625x128xf32, #tpu.memory_space<vmem_shared>>
      tpu.enqueue_dma source(%arg5 : memref<625x128xf32, #tpu.memory_space<hbm>>) target(%dma_start3A_47 : memref<625x128xf32, #tpu.memory_space<vmem_shared>>) target_semaphore(%run_scoped3A_45 : memref<!tpu.dma_semaphore, #tpu.memory_space<semaphore_mem>>)
      %dma_wait3A_48 = arith.constant 0 : i32
      %dma_wait3A_49 = tpu.memref_slice %arg9[%mul3A_2, %dma_wait3A_48] : memref<10000x128xf32, #tpu.memory_space<vmem_shared>> -> memref<625x128xf32, #tpu.memory_space<vmem_shared>>
      tpu.wait_dma2 semaphore(%run_scoped3A_45 : memref<!tpu.dma_semaphore, #tpu.memory_space<semaphore_mem>>) src(%arg5 : memref<625x128xf32, #tpu.memory_space<hbm>>) dst(%dma_wait3A_49 : memref<625x128xf32, #tpu.memory_space<vmem_shared>>)
      tpu.yield
    }) : () -> ()
    %barrier3A = arith.constant 0 : index
    tpu.barrier barrier_id(%barrier3A)
    %dma_start3A = arith.constant 0 : i32
    %dma_start3A_3 = tpu.memref_slice %arg7[%dma_start3A] : memref<10000xi32, #tpu.memory_space<vmem>> -> memref<80xi32, #tpu.memory_space<vmem>>
    %dma_start3A_4 = arith.constant 0 : i32
    %dma_start3A_5 = arith.constant 0 : i32
    %dma_start3A_6 = tpu.memref_slice %arg2[%dma_start3A_4, %dma_start3A_5] : memref<10000x128xf32, #tpu.memory_space<hbm>> -> memref<10000x128xf32, #tpu.memory_space<hbm>>
    tpu.enqueue_indirect_dma source(%dma_start3A_6 : memref<10000x128xf32, #tpu.memory_space<hbm>>) target(%arg10 : memref<80x128xf32, #tpu.memory_space<vmem>>) offsets(%dma_start3A_3 : memref<80xi32, #tpu.memory_space<vmem>>) semaphore(%arg12 : memref<!tpu.dma_semaphore, #tpu.memory_space<semaphore_mem>>)
    %dma_start3A_7 = arith.constant 80 : i32
    %dma_start3A_8 = tpu.memref_slice %arg7[%dma_start3A_7] : memref<10000xi32, #tpu.memory_space<vmem>> -> memref<80xi32, #tpu.memory_space<vmem>>
    %dma_start3A_9 = arith.constant 0 : i32
    %dma_start3A_10 = arith.constant 0 : i32
    %dma_start3A_11 = tpu.memref_slice %arg2[%dma_start3A_9, %dma_start3A_10] : memref<10000x128xf32, #tpu.memory_space<hbm>> -> memref<10000x128xf32, #tpu.memory_space<hbm>>
    tpu.enqueue_indirect_dma source(%dma_start3A_11 : memref<10000x128xf32, #tpu.memory_space<hbm>>) target(%arg11 : memref<80x128xf32, #tpu.memory_space<vmem>>) offsets(%dma_start3A_8 : memref<80xi32, #tpu.memory_space<vmem>>) semaphore(%arg13 : memref<!tpu.dma_semaphore, #tpu.memory_space<semaphore_mem>>)
    %scan3A = arith.constant 0 : i32
    %scan3A_12 = arith.constant 0 : i32
    %scan3A_13 = arith.constant 61 : i32
    %scan3A_14 = arith.addi %scan3A_12, %scan3A_13 : i32
    %scan3A_15 = arith.constant 1 : i32
    %scan3A_16 = scf.for %scan3A_45 = %scan3A_12 to %scan3A_14 step %scan3A_15 iter_args(%scan3A_46 = %scan3A) -> (i32)  : i32 {
      %mul3A_47 = arith.constant 2 : i32
      %mul3A_48 = arith.muli %scan3A_45, %mul3A_47 : i32
      %add3A_49 = arith.constant 0 : i32
      %add3A_50 = arith.addi %mul3A_48, %add3A_49 : i32
      %dma_wait3A_51 = arith.constant 0 : i32
      %dma_wait3A_52 = arith.constant 0 : i32
      %dma_wait3A_53 = tpu.memref_slice %arg2[%dma_wait3A_51, %dma_wait3A_52] : memref<10000x128xf32, #tpu.memory_space<hbm>> -> memref<80x128xf32, #tpu.memory_space<hbm>>
      %dma_wait3A_54 = arith.constant 0 : i32
      %dma_wait3A_55 = arith.constant 0 : i32
      %dma_wait3A_56 = tpu.memref_slice %arg2[%dma_wait3A_54, %dma_wait3A_55] : memref<10000x128xf32, #tpu.memory_space<hbm>> -> memref<80x128xf32, #tpu.memory_space<hbm>>
      tpu.wait_dma2 semaphore(%arg12 : memref<!tpu.dma_semaphore, #tpu.memory_space<semaphore_mem>>) src(%dma_wait3A_56 : memref<80x128xf32, #tpu.memory_space<hbm>>) dst(%arg10 : memref<80x128xf32, #tpu.memory_space<vmem>>)
      "tpu.region"() ({
        %run_scoped3A_84 = tpu.sem_alloc : memref<!tpu.dma_semaphore, #tpu.memory_space<semaphore_mem>>
        %dma_start3A_85 = arith.constant 0 : i32
        %dma_start3A_86 = tpu.memref_slice %arg8[%add3A_50, %dma_start3A_85] : memref<125x80xi32, #tpu.memory_space<vmem>> -> memref<1x80xi32, #tpu.memory_space<vmem>>
        %dma_start3A_87 = tpu.memref_squeeze %dma_start3A_86 : memref<1x80xi32, #tpu.memory_space<vmem>> -> memref<80xi32, #tpu.memory_space<vmem>>
        %dma_start3A_88 = arith.constant 0 : i32
        %dma_start3A_89 = arith.constant 0 : i32
        %dma_start3A_90 = tpu.memref_slice %arg9[%dma_start3A_88, %dma_start3A_89] : memref<10000x128xf32, #tpu.memory_space<vmem_shared>> -> memref<10000x128xf32, #tpu.memory_space<vmem_shared>>
        tpu.enqueue_indirect_dma source(%arg10 : memref<80x128xf32, #tpu.memory_space<vmem>>) target(%dma_start3A_90 : memref<10000x128xf32, #tpu.memory_space<vmem_shared>>) offsets(%dma_start3A_87 : memref<80xi32, #tpu.memory_space<vmem>>) semaphore(%run_scoped3A_84 : memref<!tpu.dma_semaphore, #tpu.memory_space<semaphore_mem>>) {add = true}
        %dma_wait3A_91 = arith.constant 0 : i32
        %dma_wait3A_92 = tpu.memref_slice %arg8[%add3A_50, %dma_wait3A_91] : memref<125x80xi32, #tpu.memory_space<vmem>> -> memref<1x80xi32, #tpu.memory_space<vmem>>
        %dma_wait3A_93 = tpu.memref_squeeze %dma_wait3A_92 : memref<1x80xi32, #tpu.memory_space<vmem>> -> memref<80xi32, #tpu.memory_space<vmem>>
        %dma_wait3A_94 = arith.constant 0 : i32
        %dma_wait3A_95 = arith.constant 0 : i32
        %dma_wait3A_96 = tpu.memref_slice %arg9[%dma_wait3A_94, %dma_wait3A_95] : memref<10000x128xf32, #tpu.memory_space<vmem_shared>> -> memref<10000x128xf32, #tpu.memory_space<vmem_shared>>
        tpu.wait_indirect_dma semaphore(%run_scoped3A_84 : memref<!tpu.dma_semaphore, #tpu.memory_space<semaphore_mem>>) src(%arg10 : memref<80x128xf32, #tpu.memory_space<vmem>>) dst(%dma_wait3A_96 : memref<10000x128xf32, #tpu.memory_space<vmem_shared>>)
        tpu.yield
      }) : () -> ()
      %add3A_57 = arith.constant 2 : i32
      %add3A_58 = arith.addi %add3A_50, %add3A_57 : i32
      %mul3A_59 = arith.constant 80 : i32
      %mul3A_60 = arith.muli %add3A_58, %mul3A_59 : i32
      %dma_start3A_61 = tpu.memref_slice %arg7[%mul3A_60] : memref<10000xi32, #tpu.memory_space<vmem>> -> memref<80xi32, #tpu.memory_space<vmem>>
      %dma_start3A_62 = arith.constant 0 : i32
      %dma_start3A_63 = arith.constant 0 : i32
      %dma_start3A_64 = tpu.memref_slice %arg2[%dma_start3A_62, %dma_start3A_63] : memref<10000x128xf32, #tpu.memory_space<hbm>> -> memref<10000x128xf32, #tpu.memory_space<hbm>>
      tpu.enqueue_indirect_dma source(%dma_start3A_64 : memref<10000x128xf32, #tpu.memory_space<hbm>>) target(%arg10 : memref<80x128xf32, #tpu.memory_space<vmem>>) offsets(%dma_start3A_61 : memref<80xi32, #tpu.memory_space<vmem>>) semaphore(%arg12 : memref<!tpu.dma_semaphore, #tpu.memory_space<semaphore_mem>>)
      %mul3A_65 = arith.constant 2 : i32
      %mul3A_66 = arith.muli %scan3A_45, %mul3A_65 : i32
      %add3A_67 = arith.constant 1 : i32
      %add3A_68 = arith.addi %mul3A_66, %add3A_67 : i32
      %dma_wait3A_69 = arith.constant 0 : i32
      %dma_wait3A_70 = arith.constant 0 : i32
      %dma_wait3A_71 = tpu.memref_slice %arg2[%dma_wait3A_69, %dma_wait3A_70] : memref<10000x128xf32, #tpu.memory_space<hbm>> -> memref<80x128xf32, #tpu.memory_space<hbm>>
      %dma_wait3A_72 = arith.constant 0 : i32
      %dma_wait3A_73 = arith.constant 0 : i32
      %dma_wait3A_74 = tpu.memref_slice %arg2[%dma_wait3A_72, %dma_wait3A_73] : memref<10000x128xf32, #tpu.memory_space<hbm>> -> memref<80x128xf32, #tpu.memory_space<hbm>>
      tpu.wait_dma2 semaphore(%arg13 : memref<!tpu.dma_semaphore, #tpu.memory_space<semaphore_mem>>) src(%dma_wait3A_74 : memref<80x128xf32, #tpu.memory_space<hbm>>) dst(%arg11 : memref<80x128xf32, #tpu.memory_space<vmem>>)
      "tpu.region"() ({
        %run_scoped3A_84 = tpu.sem_alloc : memref<!tpu.dma_semaphore, #tpu.memory_space<semaphore_mem>>
        %dma_start3A_85 = arith.constant 0 : i32
        %dma_start3A_86 = tpu.memref_slice %arg8[%add3A_68, %dma_start3A_85] : memref<125x80xi32, #tpu.memory_space<vmem>> -> memref<1x80xi32, #tpu.memory_space<vmem>>
        %dma_start3A_87 = tpu.memref_squeeze %dma_start3A_86 : memref<1x80xi32, #tpu.memory_space<vmem>> -> memref<80xi32, #tpu.memory_space<vmem>>
        %dma_start3A_88 = arith.constant 0 : i32
        %dma_start3A_89 = arith.constant 0 : i32
        %dma_start3A_90 = tpu.memref_slice %arg9[%dma_start3A_88, %dma_start3A_89] : memref<10000x128xf32, #tpu.memory_space<vmem_shared>> -> memref<10000x128xf32, #tpu.memory_space<vmem_shared>>
        tpu.enqueue_indirect_dma source(%arg11 : memref<80x128xf32, #tpu.memory_space<vmem>>) target(%dma_start3A_90 : memref<10000x128xf32, #tpu.memory_space<vmem_shared>>) offsets(%dma_start3A_87 : memref<80xi32, #tpu.memory_space<vmem>>) semaphore(%run_scoped3A_84 : memref<!tpu.dma_semaphore, #tpu.memory_space<semaphore_mem>>) {add = true}
        %dma_wait3A_91 = arith.constant 0 : i32
        %dma_wait3A_92 = tpu.memref_slice %arg8[%add3A_68, %dma_wait3A_91] : memref<125x80xi32, #tpu.memory_space<vmem>> -> memref<1x80xi32, #tpu.memory_space<vmem>>
        %dma_wait3A_93 = tpu.memref_squeeze %dma_wait3A_92 : memref<1x80xi32, #tpu.memory_space<vmem>> -> memref<80xi32, #tpu.memory_space<vmem>>
        %dma_wait3A_94 = arith.constant 0 : i32
        %dma_wait3A_95 = arith.constant 0 : i32
        %dma_wait3A_96 = tpu.memref_slice %arg9[%dma_wait3A_94, %dma_wait3A_95] : memref<10000x128xf32, #tpu.memory_space<vmem_shared>> -> memref<10000x128xf32, #tpu.memory_space<vmem_shared>>
        tpu.wait_indirect_dma semaphore(%run_scoped3A_84 : memref<!tpu.dma_semaphore, #tpu.memory_space<semaphore_mem>>) src(%arg11 : memref<80x128xf32, #tpu.memory_space<vmem>>) dst(%dma_wait3A_96 : memref<10000x128xf32, #tpu.memory_space<vmem_shared>>)
        tpu.yield
      }) : () -> ()
      %add3A_75 = arith.constant 2 : i32
      %add3A_76 = arith.addi %add3A_68, %add3A_75 : i32
      %mul3A_77 = arith.constant 80 : i32
      %mul3A_78 = arith.muli %add3A_76, %mul3A_77 : i32
      %dma_start3A_79 = tpu.memref_slice %arg7[%mul3A_78] : memref<10000xi32, #tpu.memory_space<vmem>> -> memref<80xi32, #tpu.memory_space<vmem>>
      %dma_start3A_80 = arith.constant 0 : i32
      %dma_start3A_81 = arith.constant 0 : i32
      %dma_start3A_82 = tpu.memref_slice %arg2[%dma_start3A_80, %dma_start3A_81] : memref<10000x128xf32, #tpu.memory_space<hbm>> -> memref<10000x128xf32, #tpu.memory_space<hbm>>
      tpu.enqueue_indirect_dma source(%dma_start3A_82 : memref<10000x128xf32, #tpu.memory_space<hbm>>) target(%arg11 : memref<80x128xf32, #tpu.memory_space<vmem>>) offsets(%dma_start3A_79 : memref<80xi32, #tpu.memory_space<vmem>>) semaphore(%arg13 : memref<!tpu.dma_semaphore, #tpu.memory_space<semaphore_mem>>)
      %scan3A_83 = arith.constant 0 : i32
      scf.yield %scan3A_83 : i32
    }
    %scan3A_17 = arith.constant 61 : i32
    %dma_wait3A = arith.constant 0 : i32
    %dma_wait3A_18 = arith.constant 0 : i32
    %dma_wait3A_19 = tpu.memref_slice %arg2[%dma_wait3A, %dma_wait3A_18] : memref<10000x128xf32, #tpu.memory_space<hbm>> -> memref<80x128xf32, #tpu.memory_space<hbm>>
    %dma_wait3A_20 = arith.constant 0 : i32
    %dma_wait3A_21 = arith.constant 0 : i32
    %dma_wait3A_22 = tpu.memref_slice %arg2[%dma_wait3A_20, %dma_wait3A_21] : memref<10000x128xf32, #tpu.memory_space<hbm>> -> memref<80x128xf32, #tpu.memory_space<hbm>>
    tpu.wait_dma2 semaphore(%arg12 : memref<!tpu.dma_semaphore, #tpu.memory_space<semaphore_mem>>) src(%dma_wait3A_22 : memref<80x128xf32, #tpu.memory_space<hbm>>) dst(%arg10 : memref<80x128xf32, #tpu.memory_space<vmem>>)
    %run_scoped3A = arith.constant 122 : i32
    "tpu.region"() ({
      %run_scoped3A_45 = tpu.sem_alloc : memref<!tpu.dma_semaphore, #tpu.memory_space<semaphore_mem>>
      %dma_start3A_46 = arith.constant 0 : i32
      %dma_start3A_47 = tpu.memref_slice %arg8[%run_scoped3A, %dma_start3A_46] : memref<125x80xi32, #tpu.memory_space<vmem>> -> memref<1x80xi32, #tpu.memory_space<vmem>>
      %dma_start3A_48 = tpu.memref_squeeze %dma_start3A_47 : memref<1x80xi32, #tpu.memory_space<vmem>> -> memref<80xi32, #tpu.memory_space<vmem>>
      %dma_start3A_49 = arith.constant 0 : i32
      %dma_start3A_50 = arith.constant 0 : i32
      %dma_start3A_51 = tpu.memref_slice %arg9[%dma_start3A_49, %dma_start3A_50] : memref<10000x128xf32, #tpu.memory_space<vmem_shared>> -> memref<10000x128xf32, #tpu.memory_space<vmem_shared>>
      tpu.enqueue_indirect_dma source(%arg10 : memref<80x128xf32, #tpu.memory_space<vmem>>) target(%dma_start3A_51 : memref<10000x128xf32, #tpu.memory_space<vmem_shared>>) offsets(%dma_start3A_48 : memref<80xi32, #tpu.memory_space<vmem>>) semaphore(%run_scoped3A_45 : memref<!tpu.dma_semaphore, #tpu.memory_space<semaphore_mem>>) {add = true}
      %dma_wait3A_52 = arith.constant 0 : i32
      %dma_wait3A_53 = tpu.memref_slice %arg8[%run_scoped3A, %dma_wait3A_52] : memref<125x80xi32, #tpu.memory_space<vmem>> -> memref<1x80xi32, #tpu.memory_space<vmem>>
      %dma_wait3A_54 = tpu.memref_squeeze %dma_wait3A_53 : memref<1x80xi32, #tpu.memory_space<vmem>> -> memref<80xi32, #tpu.memory_space<vmem>>
      %dma_wait3A_55 = arith.constant 0 : i32
      %dma_wait3A_56 = arith.constant 0 : i32
      %dma_wait3A_57 = tpu.memref_slice %arg9[%dma_wait3A_55, %dma_wait3A_56] : memref<10000x128xf32, #tpu.memory_space<vmem_shared>> -> memref<10000x128xf32, #tpu.memory_space<vmem_shared>>
      tpu.wait_indirect_dma semaphore(%run_scoped3A_45 : memref<!tpu.dma_semaphore, #tpu.memory_space<semaphore_mem>>) src(%arg10 : memref<80x128xf32, #tpu.memory_space<vmem>>) dst(%dma_wait3A_57 : memref<10000x128xf32, #tpu.memory_space<vmem_shared>>)
      tpu.yield
    }) : () -> ()
    %dma_start3A_23 = arith.constant 9920 : i32
    %dma_start3A_24 = tpu.memref_slice %arg7[%dma_start3A_23] : memref<10000xi32, #tpu.memory_space<vmem>> -> memref<80xi32, #tpu.memory_space<vmem>>
    %dma_start3A_25 = arith.constant 0 : i32
    %dma_start3A_26 = arith.constant 0 : i32
    %dma_start3A_27 = tpu.memref_slice %arg2[%dma_start3A_25, %dma_start3A_26] : memref<10000x128xf32, #tpu.memory_space<hbm>> -> memref<10000x128xf32, #tpu.memory_space<hbm>>
    tpu.enqueue_indirect_dma source(%dma_start3A_27 : memref<10000x128xf32, #tpu.memory_space<hbm>>) target(%arg10 : memref<80x128xf32, #tpu.memory_space<vmem>>) offsets(%dma_start3A_24 : memref<80xi32, #tpu.memory_space<vmem>>) semaphore(%arg12 : memref<!tpu.dma_semaphore, #tpu.memory_space<semaphore_mem>>)
    %dma_wait3A_28 = arith.constant 0 : i32
    %dma_wait3A_29 = arith.constant 0 : i32
    %dma_wait3A_30 = tpu.memref_slice %arg2[%dma_wait3A_28, %dma_wait3A_29] : memref<10000x128xf32, #tpu.memory_space<hbm>> -> memref<80x128xf32, #tpu.memory_space<hbm>>
    %dma_wait3A_31 = arith.constant 0 : i32
    %dma_wait3A_32 = arith.constant 0 : i32
    %dma_wait3A_33 = tpu.memref_slice %arg2[%dma_wait3A_31, %dma_wait3A_32] : memref<10000x128xf32, #tpu.memory_space<hbm>> -> memref<80x128xf32, #tpu.memory_space<hbm>>
    tpu.wait_dma2 semaphore(%arg13 : memref<!tpu.dma_semaphore, #tpu.memory_space<semaphore_mem>>) src(%dma_wait3A_33 : memref<80x128xf32, #tpu.memory_space<hbm>>) dst(%arg11 : memref<80x128xf32, #tpu.memory_space<vmem>>)
    %run_scoped3A_34 = arith.constant 123 : i32
    "tpu.region"() ({
      %run_scoped3A_45 = tpu.sem_alloc : memref<!tpu.dma_semaphore, #tpu.memory_space<semaphore_mem>>
      %dma_start3A_46 = arith.constant 0 : i32
      %dma_start3A_47 = tpu.memref_slice %arg8[%run_scoped3A_34, %dma_start3A_46] : memref<125x80xi32, #tpu.memory_space<vmem>> -> memref<1x80xi32, #tpu.memory_space<vmem>>
      %dma_start3A_48 = tpu.memref_squeeze %dma_start3A_47 : memref<1x80xi32, #tpu.memory_space<vmem>> -> memref<80xi32, #tpu.memory_space<vmem>>
      %dma_start3A_49 = arith.constant 0 : i32
      %dma_start3A_50 = arith.constant 0 : i32
      %dma_start3A_51 = tpu.memref_slice %arg9[%dma_start3A_49, %dma_start3A_50] : memref<10000x128xf32, #tpu.memory_space<vmem_shared>> -> memref<10000x128xf32, #tpu.memory_space<vmem_shared>>
      tpu.enqueue_indirect_dma source(%arg11 : memref<80x128xf32, #tpu.memory_space<vmem>>) target(%dma_start3A_51 : memref<10000x128xf32, #tpu.memory_space<vmem_shared>>) offsets(%dma_start3A_48 : memref<80xi32, #tpu.memory_space<vmem>>) semaphore(%run_scoped3A_45 : memref<!tpu.dma_semaphore, #tpu.memory_space<semaphore_mem>>) {add = true}
      %dma_wait3A_52 = arith.constant 0 : i32
      %dma_wait3A_53 = tpu.memref_slice %arg8[%run_scoped3A_34, %dma_wait3A_52] : memref<125x80xi32, #tpu.memory_space<vmem>> -> memref<1x80xi32, #tpu.memory_space<vmem>>
      %dma_wait3A_54 = tpu.memref_squeeze %dma_wait3A_53 : memref<1x80xi32, #tpu.memory_space<vmem>> -> memref<80xi32, #tpu.memory_space<vmem>>
      %dma_wait3A_55 = arith.constant 0 : i32
      %dma_wait3A_56 = arith.constant 0 : i32
      %dma_wait3A_57 = tpu.memref_slice %arg9[%dma_wait3A_55, %dma_wait3A_56] : memref<10000x128xf32, #tpu.memory_space<vmem_shared>> -> memref<10000x128xf32, #tpu.memory_space<vmem_shared>>
      tpu.wait_indirect_dma semaphore(%run_scoped3A_45 : memref<!tpu.dma_semaphore, #tpu.memory_space<semaphore_mem>>) src(%arg11 : memref<80x128xf32, #tpu.memory_space<vmem>>) dst(%dma_wait3A_57 : memref<10000x128xf32, #tpu.memory_space<vmem_shared>>)
      tpu.yield
    }) : () -> ()
    %dma_wait3A_35 = arith.constant 0 : i32
    %dma_wait3A_36 = arith.constant 0 : i32
    %dma_wait3A_37 = tpu.memref_slice %arg2[%dma_wait3A_35, %dma_wait3A_36] : memref<10000x128xf32, #tpu.memory_space<hbm>> -> memref<80x128xf32, #tpu.memory_space<hbm>>
    %dma_wait3A_38 = arith.constant 0 : i32
    %dma_wait3A_39 = arith.constant 0 : i32
    %dma_wait3A_40 = tpu.memref_slice %arg2[%dma_wait3A_38, %dma_wait3A_39] : memref<10000x128xf32, #tpu.memory_space<hbm>> -> memref<80x128xf32, #tpu.memory_space<hbm>>
    tpu.wait_dma2 semaphore(%arg12 : memref<!tpu.dma_semaphore, #tpu.memory_space<semaphore_mem>>) src(%dma_wait3A_40 : memref<80x128xf32, #tpu.memory_space<hbm>>) dst(%arg10 : memref<80x128xf32, #tpu.memory_space<vmem>>)
    %run_scoped3A_41 = arith.constant 124 : i32
    "tpu.region"() ({
      %run_scoped3A_45 = tpu.sem_alloc : memref<!tpu.dma_semaphore, #tpu.memory_space<semaphore_mem>>
      %dma_start3A_46 = arith.constant 0 : i32
      %dma_start3A_47 = tpu.memref_slice %arg8[%run_scoped3A_41, %dma_start3A_46] : memref<125x80xi32, #tpu.memory_space<vmem>> -> memref<1x80xi32, #tpu.memory_space<vmem>>
      %dma_start3A_48 = tpu.memref_squeeze %dma_start3A_47 : memref<1x80xi32, #tpu.memory_space<vmem>> -> memref<80xi32, #tpu.memory_space<vmem>>
      %dma_start3A_49 = arith.constant 0 : i32
      %dma_start3A_50 = arith.constant 0 : i32
      %dma_start3A_51 = tpu.memref_slice %arg9[%dma_start3A_49, %dma_start3A_50] : memref<10000x128xf32, #tpu.memory_space<vmem_shared>> -> memref<10000x128xf32, #tpu.memory_space<vmem_shared>>
      tpu.enqueue_indirect_dma source(%arg10 : memref<80x128xf32, #tpu.memory_space<vmem>>) target(%dma_start3A_51 : memref<10000x128xf32, #tpu.memory_space<vmem_shared>>) offsets(%dma_start3A_48 : memref<80xi32, #tpu.memory_space<vmem>>) semaphore(%run_scoped3A_45 : memref<!tpu.dma_semaphore, #tpu.memory_space<semaphore_mem>>) {add = true}
      %dma_wait3A_52 = arith.constant 0 : i32
      %dma_wait3A_53 = tpu.memref_slice %arg8[%run_scoped3A_41, %dma_wait3A_52] : memref<125x80xi32, #tpu.memory_space<vmem>> -> memref<1x80xi32, #tpu.memory_space<vmem>>
      %dma_wait3A_54 = tpu.memref_squeeze %dma_wait3A_53 : memref<1x80xi32, #tpu.memory_space<vmem>> -> memref<80xi32, #tpu.memory_space<vmem>>
      %dma_wait3A_55 = arith.constant 0 : i32
      %dma_wait3A_56 = arith.constant 0 : i32
      %dma_wait3A_57 = tpu.memref_slice %arg9[%dma_wait3A_55, %dma_wait3A_56] : memref<10000x128xf32, #tpu.memory_space<vmem_shared>> -> memref<10000x128xf32, #tpu.memory_space<vmem_shared>>
      tpu.wait_indirect_dma semaphore(%run_scoped3A_45 : memref<!tpu.dma_semaphore, #tpu.memory_space<semaphore_mem>>) src(%arg10 : memref<80x128xf32, #tpu.memory_space<vmem>>) dst(%dma_wait3A_57 : memref<10000x128xf32, #tpu.memory_space<vmem_shared>>)
      tpu.yield
    }) : () -> ()
    %barrier3A_42 = arith.constant 0 : index
    tpu.barrier barrier_id(%barrier3A_42)
    %mul3A_43 = arith.constant 625 : i32
    %mul3A_44 = arith.muli %arg1, %mul3A_43 : i32
    "tpu.region"() ({
      %run_scoped3A_45 = tpu.sem_alloc : memref<!tpu.dma_semaphore, #tpu.memory_space<semaphore_mem>>
      %dma_start3A_46 = arith.constant 0 : i32
      %dma_start3A_47 = arith.constant 0 : i32
      %dma_start3A_48 = tpu.memref_slice %arg6[%arg0, %arg1, %dma_start3A_46, %dma_start3A_47] : memref<2x16x625x128xf32, #tpu.memory_space<hbm>> -> memref<1x1x625x128xf32, #tpu.memory_space<hbm>>
      %dma_start3A_49 = tpu.memref_squeeze %dma_start3A_48 : memref<1x1x625x128xf32, #tpu.memory_space<hbm>> -> memref<625x128xf32, #tpu.memory_space<hbm>>
      %dma_start3A_50 = arith.constant 0 : i32
      %dma_start3A_51 = tpu.memref_slice %arg9[%mul3A_44, %dma_start3A_50] : memref<10000x128xf32, #tpu.memory_space<vmem_shared>> -> memref<625x128xf32, #tpu.memory_space<vmem_shared>>
      tpu.enqueue_dma source(%dma_start3A_51 : memref<625x128xf32, #tpu.memory_space<vmem_shared>>) target(%dma_start3A_49 : memref<625x128xf32, #tpu.memory_space<hbm>>) target_semaphore(%run_scoped3A_45 : memref<!tpu.dma_semaphore, #tpu.memory_space<semaphore_mem>>)
      %dma_wait3A_52 = arith.constant 0 : i32
      %dma_wait3A_53 = arith.constant 0 : i32
      %dma_wait3A_54 = tpu.memref_slice %arg6[%arg0, %arg1, %dma_wait3A_52, %dma_wait3A_53] : memref<2x16x625x128xf32, #tpu.memory_space<hbm>> -> memref<1x1x625x128xf32, #tpu.memory_space<hbm>>
      %dma_wait3A_55 = tpu.memref_squeeze %dma_wait3A_54 : memref<1x1x625x128xf32, #tpu.memory_space<hbm>> -> memref<625x128xf32, #tpu.memory_space<hbm>>
      %dma_wait3A_56 = arith.constant 0 : i32
      %dma_wait3A_57 = tpu.memref_slice %arg9[%mul3A_44, %dma_wait3A_56] : memref<10000x128xf32, #tpu.memory_space<vmem_shared>> -> memref<625x128xf32, #tpu.memory_space<vmem_shared>>
      tpu.wait_dma2 semaphore(%run_scoped3A_45 : memref<!tpu.dma_semaphore, #tpu.memory_space<semaphore_mem>>) src(%dma_wait3A_57 : memref<625x128xf32, #tpu.memory_space<vmem_shared>>) dst(%dma_wait3A_55 : memref<625x128xf32, #tpu.memory_space<hbm>>)
      tpu.yield
    }) : () -> ()
    return
  }
}

#map = affine_map<(d0, d1) -> (0, 0)>
#map1 = affine_map<(d0, d1) -> (0, 0, 0)>
#map2 = affine_map<(d0, d1) -> (0, 0, 0, 0)>
module attributes {stable_mosaic.version = 14 : i64} {
  func.func @agg(%arg0: i32, %arg1: i32, %arg2: memref<10000x128xf32, #tpu.memory_space<hbm>>, %arg3: memref<32x10000xi32, #tpu.memory_space<hbm>>, %arg4: memref<32x125x80xi32, #tpu.memory_space<hbm>>, %arg5: memref<625x128xf32, #tpu.memory_space<hbm>>, %arg6: memref<2x16x625x128xf32, #tpu.memory_space<hbm>>, %arg7: memref<10000xi32, #tpu.memory_space<vmem>>, %arg8: memref<125x80xi32, #tpu.memory_space<vmem>>, %arg9: memref<10000x128xf32, #tpu.memory_space<vmem_shared>>, %arg10: memref<80x128xf32, #tpu.memory_space<vmem>>, %arg11: memref<80x128xf32, #tpu.memory_space<vmem>>, %arg12: memref<!tpu.dma_semaphore, #tpu.memory_space<semaphore_mem>>, %arg13: memref<!tpu.dma_semaphore, #tpu.memory_space<semaphore_mem>>) attributes {dimension_semantics = [#tpu.dimension_semantics<core_parallel>, #tpu.dimension_semantics<subcore_parallel>], iteration_bounds = array<i64: 2, 16>, scalar_prefetch = 0 : i64, scratch_operands = 7 : i64, tpu.core_type = #tpu.core_type<sc_vector_subcore>, window_params = [{transform_indices = #map}, {transform_indices = #map}, {transform_indices = #map1}, {transform_indices = #map}, {transform_indices = #map2}]} {
    %mul3A = arith.constant 16 : i32
    %mul3A_0 = arith.muli %arg0, %mul3A : i32
    %add3A = arith.addi %mul3A_0, %arg1 : i32
    "tpu.region"() ({
      %run_scoped3A_45 = tpu.sem_alloc : memref<!tpu.dma_semaphore, #tpu.memory_space<semaphore_mem>>
      %dma_start3A_46 = arith.constant 0 : i32
      %dma_start3A_47 = tpu.memref_slice %arg3[%add3A, %dma_start3A_46] : memref<32x10000xi32, #tpu.memory_space<hbm>> -> memref<1x10000xi32, #tpu.memory_space<hbm>>
      %dma_start3A_48 = tpu.memref_squeeze %dma_start3A_47 : memref<1x10000xi32, #tpu.memory_space<hbm>> -> memref<10000xi32, #tpu.memory_space<hbm>>
      %dma_start3A_49 = arith.constant 0 : i32
      %dma_start3A_50 = tpu.memref_slice %arg3[%add3A, %dma_start3A_49] : memref<32x10000xi32, #tpu.memory_space<hbm>> -> memref<1x10000xi32, #tpu.memory_space<hbm>>
      %dma_start3A_51 = tpu.memref_squeeze %dma_start3A_50 : memref<1x10000xi32, #tpu.memory_space<hbm>> -> memref<10000xi32, #tpu.memory_space<hbm>>
      tpu.enqueue_dma source(%dma_start3A_51 : memref<10000xi32, #tpu.memory_space<hbm>>) target(%arg7 : memref<10000xi32, #tpu.memory_space<vmem>>) target_semaphore(%run_scoped3A_45 : memref<!tpu.dma_semaphore, #tpu.memory_space<semaphore_mem>>)
      %dma_wait3A_52 = arith.constant 0 : i32
      %dma_wait3A_53 = tpu.memref_slice %arg3[%add3A, %dma_wait3A_52] : memref<32x10000xi32, #tpu.memory_space<hbm>> -> memref<1x10000xi32, #tpu.memory_space<hbm>>
      %dma_wait3A_54 = tpu.memref_squeeze %dma_wait3A_53 : memref<1x10000xi32, #tpu.memory_space<hbm>> -> memref<10000xi32, #tpu.memory_space<hbm>>
      %dma_wait3A_55 = arith.constant 0 : i32
      %dma_wait3A_56 = tpu.memref_slice %arg3[%add3A, %dma_wait3A_55] : memref<32x10000xi32, #tpu.memory_space<hbm>> -> memref<1x10000xi32, #tpu.memory_space<hbm>>
      %dma_wait3A_57 = tpu.memref_squeeze %dma_wait3A_56 : memref<1x10000xi32, #tpu.memory_space<hbm>> -> memref<10000xi32, #tpu.memory_space<hbm>>
      tpu.wait_dma2 semaphore(%run_scoped3A_45 : memref<!tpu.dma_semaphore, #tpu.memory_space<semaphore_mem>>) src(%dma_wait3A_57 : memref<10000xi32, #tpu.memory_space<hbm>>) dst(%arg7 : memref<10000xi32, #tpu.memory_space<vmem>>)
      tpu.yield
    }) : () -> ()
    "tpu.region"() ({
      %run_scoped3A_45 = tpu.sem_alloc : memref<!tpu.dma_semaphore, #tpu.memory_space<semaphore_mem>>
      %dma_start3A_46 = arith.constant 0 : i32
      %dma_start3A_47 = arith.constant 0 : i32
      %dma_start3A_48 = tpu.memref_slice %arg4[%add3A, %dma_start3A_46, %dma_start3A_47] : memref<32x125x80xi32, #tpu.memory_space<hbm>> -> memref<1x125x80xi32, #tpu.memory_space<hbm>>
      %dma_start3A_49 = tpu.memref_squeeze %dma_start3A_48 : memref<1x125x80xi32, #tpu.memory_space<hbm>> -> memref<125x80xi32, #tpu.memory_space<hbm>>
      %dma_start3A_50 = arith.constant 0 : i32
      %dma_start3A_51 = arith.constant 0 : i32
      %dma_start3A_52 = tpu.memref_slice %arg4[%add3A, %dma_start3A_50, %dma_start3A_51] : memref<32x125x80xi32, #tpu.memory_space<hbm>> -> memref<1x125x80xi32, #tpu.memory_space<hbm>>
      %dma_start3A_53 = tpu.memref_squeeze %dma_start3A_52 : memref<1x125x80xi32, #tpu.memory_space<hbm>> -> memref<125x80xi32, #tpu.memory_space<hbm>>
      tpu.enqueue_dma source(%dma_start3A_53 : memref<125x80xi32, #tpu.memory_space<hbm>>) target(%arg8 : memref<125x80xi32, #tpu.memory_space<vmem>>) target_semaphore(%run_scoped3A_45 : memref<!tpu.dma_semaphore, #tpu.memory_space<semaphore_mem>>)
      %dma_wait3A_54 = arith.constant 0 : i32
      %dma_wait3A_55 = arith.constant 0 : i32
      %dma_wait3A_56 = tpu.memref_slice %arg4[%add3A, %dma_wait3A_54, %dma_wait3A_55] : memref<32x125x80xi32, #tpu.memory_space<hbm>> -> memref<1x125x80xi32, #tpu.memory_space<hbm>>
      %dma_wait3A_57 = tpu.memref_squeeze %dma_wait3A_56 : memref<1x125x80xi32, #tpu.memory_space<hbm>> -> memref<125x80xi32, #tpu.memory_space<hbm>>
      %dma_wait3A_58 = arith.constant 0 : i32
      %dma_wait3A_59 = arith.constant 0 : i32
      %dma_wait3A_60 = tpu.memref_slice %arg4[%add3A, %dma_wait3A_58, %dma_wait3A_59] : memref<32x125x80xi32, #tpu.memory_space<hbm>> -> memref<1x125x80xi32, #tpu.memory_space<hbm>>
      %dma_wait3A_61 = tpu.memref_squeeze %dma_wait3A_60 : memref<1x125x80xi32, #tpu.memory_space<hbm>> -> memref<125x80xi32, #tpu.memory_space<hbm>>
      tpu.wait_dma2 semaphore(%run_scoped3A_45 : memref<!tpu.dma_semaphore, #tpu.memory_space<semaphore_mem>>) src(%dma_wait3A_61 : memref<125x80xi32, #tpu.memory_space<hbm>>) dst(%arg8 : memref<125x80xi32, #tpu.memory_space<vmem>>)
      tpu.yield
    }) : () -> ()
    %mul3A_1 = arith.constant 625 : i32
    %mul3A_2 = arith.muli %arg1, %mul3A_1 : i32
    "tpu.region"() ({
      %run_scoped3A_45 = tpu.sem_alloc : memref<!tpu.dma_semaphore, #tpu.memory_space<semaphore_mem>>
      %dma_start3A_46 = arith.constant 0 : i32
      %dma_start3A_47 = tpu.memref_slice %arg9[%mul3A_2, %dma_start3A_46] : memref<10000x128xf32, #tpu.memory_space<vmem_shared>> -> memref<625x128xf32, #tpu.memory_space<vmem_shared>>
      tpu.enqueue_dma source(%arg5 : memref<625x128xf32, #tpu.memory_space<hbm>>) target(%dma_start3A_47 : memref<625x128xf32, #tpu.memory_space<vmem_shared>>) target_semaphore(%run_scoped3A_45 : memref<!tpu.dma_semaphore, #tpu.memory_space<semaphore_mem>>)
      %dma_wait3A_48 = arith.constant 0 : i32
      %dma_wait3A_49 = tpu.memref_slice %arg9[%mul3A_2, %dma_wait3A_48] : memref<10000x128xf32, #tpu.memory_space<vmem_shared>> -> memref<625x128xf32, #tpu.memory_space<vmem_shared>>
      tpu.wait_dma2 semaphore(%run_scoped3A_45 : memref<!tpu.dma_semaphore, #tpu.memory_space<semaphore_mem>>) src(%arg5 : memref<625x128xf32, #tpu.memory_space<hbm>>) dst(%dma_wait3A_49 : memref<625x128xf32, #tpu.memory_space<vmem_shared>>)
      tpu.yield
    }) : () -> ()
    %barrier3A = arith.constant 0 : index
    tpu.barrier barrier_id(%barrier3A)
    %dma_start3A = arith.constant 0 : i32
    %dma_start3A_3 = tpu.memref_slice %arg7[%dma_start3A] : memref<10000xi32, #tpu.memory_space<vmem>> -> memref<80xi32, #tpu.memory_space<vmem>>
    %dma_start3A_4 = arith.constant 0 : i32
    %dma_start3A_5 = arith.constant 0 : i32
    %dma_start3A_6 = tpu.memref_slice %arg2[%dma_start3A_4, %dma_start3A_5] : memref<10000x128xf32, #tpu.memory_space<hbm>> -> memref<10000x128xf32, #tpu.memory_space<hbm>>
    tpu.enqueue_indirect_dma source(%dma_start3A_6 : memref<10000x128xf32, #tpu.memory_space<hbm>>) target(%arg10 : memref<80x128xf32, #tpu.memory_space<vmem>>) offsets(%dma_start3A_3 : memref<80xi32, #tpu.memory_space<vmem>>) semaphore(%arg12 : memref<!tpu.dma_semaphore, #tpu.memory_space<semaphore_mem>>)
    %dma_start3A_7 = arith.constant 80 : i32
    %dma_start3A_8 = tpu.memref_slice %arg7[%dma_start3A_7] : memref<10000xi32, #tpu.memory_space<vmem>> -> memref<80xi32, #tpu.memory_space<vmem>>
    %dma_start3A_9 = arith.constant 0 : i32
    %dma_start3A_10 = arith.constant 0 : i32
    %dma_start3A_11 = tpu.memref_slice %arg2[%dma_start3A_9, %dma_start3A_10] : memref<10000x128xf32, #tpu.memory_space<hbm>> -> memref<10000x128xf32, #tpu.memory_space<hbm>>
    tpu.enqueue_indirect_dma source(%dma_start3A_11 : memref<10000x128xf32, #tpu.memory_space<hbm>>) target(%arg11 : memref<80x128xf32, #tpu.memory_space<vmem>>) offsets(%dma_start3A_8 : memref<80xi32, #tpu.memory_space<vmem>>) semaphore(%arg13 : memref<!tpu.dma_semaphore, #tpu.memory_space<semaphore_mem>>)
    %scan3A = arith.constant 0 : i32
    %scan3A_12 = arith.constant 0 : i32
    %scan3A_13 = arith.constant 61 : i32
    %scan3A_14 = arith.addi %scan3A_12, %scan3A_13 : i32
    %scan3A_15 = arith.constant 1 : i32
    %scan3A_16 = scf.for %scan3A_45 = %scan3A_12 to %scan3A_14 step %scan3A_15 iter_args(%scan3A_46 = %scan3A) -> (i32)  : i32 {
      %mul3A_47 = arith.constant 2 : i32
      %mul3A_48 = arith.muli %scan3A_45, %mul3A_47 : i32
      %add3A_49 = arith.constant 0 : i32
      %add3A_50 = arith.addi %mul3A_48, %add3A_49 : i32
      %dma_wait3A_51 = arith.constant 0 : i32
      %dma_wait3A_52 = arith.constant 0 : i32
      %dma_wait3A_53 = tpu.memref_slice %arg2[%dma_wait3A_51, %dma_wait3A_52] : memref<10000x128xf32, #tpu.memory_space<hbm>> -> memref<80x128xf32, #tpu.memory_space<hbm>>
      %dma_wait3A_54 = arith.constant 0 : i32
      %dma_wait3A_55 = arith.constant 0 : i32
      %dma_wait3A_56 = tpu.memref_slice %arg2[%dma_wait3A_54, %dma_wait3A_55] : memref<10000x128xf32, #tpu.memory_space<hbm>> -> memref<80x128xf32, #tpu.memory_space<hbm>>
      tpu.wait_dma2 semaphore(%arg12 : memref<!tpu.dma_semaphore, #tpu.memory_space<semaphore_mem>>) src(%dma_wait3A_56 : memref<80x128xf32, #tpu.memory_space<hbm>>) dst(%arg10 : memref<80x128xf32, #tpu.memory_space<vmem>>)
      "tpu.region"() ({
        %run_scoped3A_84 = tpu.sem_alloc : memref<!tpu.dma_semaphore, #tpu.memory_space<semaphore_mem>>
        %dma_start3A_85 = arith.constant 0 : i32
        %dma_start3A_86 = tpu.memref_slice %arg8[%add3A_50, %dma_start3A_85] : memref<125x80xi32, #tpu.memory_space<vmem>> -> memref<1x80xi32, #tpu.memory_space<vmem>>
        %dma_start3A_87 = tpu.memref_squeeze %dma_start3A_86 : memref<1x80xi32, #tpu.memory_space<vmem>> -> memref<80xi32, #tpu.memory_space<vmem>>
        %dma_start3A_88 = arith.constant 0 : i32
        %dma_start3A_89 = arith.constant 0 : i32
        %dma_start3A_90 = tpu.memref_slice %arg9[%dma_start3A_88, %dma_start3A_89] : memref<10000x128xf32, #tpu.memory_space<vmem_shared>> -> memref<10000x128xf32, #tpu.memory_space<vmem_shared>>
        tpu.enqueue_indirect_dma source(%arg10 : memref<80x128xf32, #tpu.memory_space<vmem>>) target(%dma_start3A_90 : memref<10000x128xf32, #tpu.memory_space<vmem_shared>>) offsets(%dma_start3A_87 : memref<80xi32, #tpu.memory_space<vmem>>) semaphore(%run_scoped3A_84 : memref<!tpu.dma_semaphore, #tpu.memory_space<semaphore_mem>>) {add = true}
        %dma_wait3A_91 = arith.constant 0 : i32
        %dma_wait3A_92 = tpu.memref_slice %arg8[%add3A_50, %dma_wait3A_91] : memref<125x80xi32, #tpu.memory_space<vmem>> -> memref<1x80xi32, #tpu.memory_space<vmem>>
        %dma_wait3A_93 = tpu.memref_squeeze %dma_wait3A_92 : memref<1x80xi32, #tpu.memory_space<vmem>> -> memref<80xi32, #tpu.memory_space<vmem>>
        %dma_wait3A_94 = arith.constant 0 : i32
        %dma_wait3A_95 = arith.constant 0 : i32
        %dma_wait3A_96 = tpu.memref_slice %arg9[%dma_wait3A_94, %dma_wait3A_95] : memref<10000x128xf32, #tpu.memory_space<vmem_shared>> -> memref<10000x128xf32, #tpu.memory_space<vmem_shared>>
        tpu.wait_indirect_dma semaphore(%run_scoped3A_84 : memref<!tpu.dma_semaphore, #tpu.memory_space<semaphore_mem>>) src(%arg10 : memref<80x128xf32, #tpu.memory_space<vmem>>) dst(%dma_wait3A_96 : memref<10000x128xf32, #tpu.memory_space<vmem_shared>>)
        tpu.yield
      }) : () -> ()
      %add3A_57 = arith.constant 2 : i32
      %add3A_58 = arith.addi %add3A_50, %add3A_57 : i32
      %mul3A_59 = arith.constant 80 : i32
      %mul3A_60 = arith.muli %add3A_58, %mul3A_59 : i32
      %dma_start3A_61 = tpu.memref_slice %arg7[%mul3A_60] : memref<10000xi32, #tpu.memory_space<vmem>> -> memref<80xi32, #tpu.memory_space<vmem>>
      %dma_start3A_62 = arith.constant 0 : i32
      %dma_start3A_63 = arith.constant 0 : i32
      %dma_start3A_64 = tpu.memref_slice %arg2[%dma_start3A_62, %dma_start3A_63] : memref<10000x128xf32, #tpu.memory_space<hbm>> -> memref<10000x128xf32, #tpu.memory_space<hbm>>
      tpu.enqueue_indirect_dma source(%dma_start3A_64 : memref<10000x128xf32, #tpu.memory_space<hbm>>) target(%arg10 : memref<80x128xf32, #tpu.memory_space<vmem>>) offsets(%dma_start3A_61 : memref<80xi32, #tpu.memory_space<vmem>>) semaphore(%arg12 : memref<!tpu.dma_semaphore, #tpu.memory_space<semaphore_mem>>)
      %mul3A_65 = arith.constant 2 : i32
      %mul3A_66 = arith.muli %scan3A_45, %mul3A_65 : i32
      %add3A_67 = arith.constant 1 : i32
      %add3A_68 = arith.addi %mul3A_66, %add3A_67 : i32
      %dma_wait3A_69 = arith.constant 0 : i32
      %dma_wait3A_70 = arith.constant 0 : i32
      %dma_wait3A_71 = tpu.memref_slice %arg2[%dma_wait3A_69, %dma_wait3A_70] : memref<10000x128xf32, #tpu.memory_space<hbm>> -> memref<80x128xf32, #tpu.memory_space<hbm>>
      %dma_wait3A_72 = arith.constant 0 : i32
      %dma_wait3A_73 = arith.constant 0 : i32
      %dma_wait3A_74 = tpu.memref_slice %arg2[%dma_wait3A_72, %dma_wait3A_73] : memref<10000x128xf32, #tpu.memory_space<hbm>> -> memref<80x128xf32, #tpu.memory_space<hbm>>
      tpu.wait_dma2 semaphore(%arg13 : memref<!tpu.dma_semaphore, #tpu.memory_space<semaphore_mem>>) src(%dma_wait3A_74 : memref<80x128xf32, #tpu.memory_space<hbm>>) dst(%arg11 : memref<80x128xf32, #tpu.memory_space<vmem>>)
      "tpu.region"() ({
        %run_scoped3A_84 = tpu.sem_alloc : memref<!tpu.dma_semaphore, #tpu.memory_space<semaphore_mem>>
        %dma_start3A_85 = arith.constant 0 : i32
        %dma_start3A_86 = tpu.memref_slice %arg8[%add3A_68, %dma_start3A_85] : memref<125x80xi32, #tpu.memory_space<vmem>> -> memref<1x80xi32, #tpu.memory_space<vmem>>
        %dma_start3A_87 = tpu.memref_squeeze %dma_start3A_86 : memref<1x80xi32, #tpu.memory_space<vmem>> -> memref<80xi32, #tpu.memory_space<vmem>>
        %dma_start3A_88 = arith.constant 0 : i32
        %dma_start3A_89 = arith.constant 0 : i32
        %dma_start3A_90 = tpu.memref_slice %arg9[%dma_start3A_88, %dma_start3A_89] : memref<10000x128xf32, #tpu.memory_space<vmem_shared>> -> memref<10000x128xf32, #tpu.memory_space<vmem_shared>>
        tpu.enqueue_indirect_dma source(%arg11 : memref<80x128xf32, #tpu.memory_space<vmem>>) target(%dma_start3A_90 : memref<10000x128xf32, #tpu.memory_space<vmem_shared>>) offsets(%dma_start3A_87 : memref<80xi32, #tpu.memory_space<vmem>>) semaphore(%run_scoped3A_84 : memref<!tpu.dma_semaphore, #tpu.memory_space<semaphore_mem>>) {add = true}
        %dma_wait3A_91 = arith.constant 0 : i32
        %dma_wait3A_92 = tpu.memref_slice %arg8[%add3A_68, %dma_wait3A_91] : memref<125x80xi32, #tpu.memory_space<vmem>> -> memref<1x80xi32, #tpu.memory_space<vmem>>
        %dma_wait3A_93 = tpu.memref_squeeze %dma_wait3A_92 : memref<1x80xi32, #tpu.memory_space<vmem>> -> memref<80xi32, #tpu.memory_space<vmem>>
        %dma_wait3A_94 = arith.constant 0 : i32
        %dma_wait3A_95 = arith.constant 0 : i32
        %dma_wait3A_96 = tpu.memref_slice %arg9[%dma_wait3A_94, %dma_wait3A_95] : memref<10000x128xf32, #tpu.memory_space<vmem_shared>> -> memref<10000x128xf32, #tpu.memory_space<vmem_shared>>
        tpu.wait_indirect_dma semaphore(%run_scoped3A_84 : memref<!tpu.dma_semaphore, #tpu.memory_space<semaphore_mem>>) src(%arg11 : memref<80x128xf32, #tpu.memory_space<vmem>>) dst(%dma_wait3A_96 : memref<10000x128xf32, #tpu.memory_space<vmem_shared>>)
        tpu.yield
      }) : () -> ()
      %add3A_75 = arith.constant 2 : i32
      %add3A_76 = arith.addi %add3A_68, %add3A_75 : i32
      %mul3A_77 = arith.constant 80 : i32
      %mul3A_78 = arith.muli %add3A_76, %mul3A_77 : i32
      %dma_start3A_79 = tpu.memref_slice %arg7[%mul3A_78] : memref<10000xi32, #tpu.memory_space<vmem>> -> memref<80xi32, #tpu.memory_space<vmem>>
      %dma_start3A_80 = arith.constant 0 : i32
      %dma_start3A_81 = arith.constant 0 : i32
      %dma_start3A_82 = tpu.memref_slice %arg2[%dma_start3A_80, %dma_start3A_81] : memref<10000x128xf32, #tpu.memory_space<hbm>> -> memref<10000x128xf32, #tpu.memory_space<hbm>>
      tpu.enqueue_indirect_dma source(%dma_start3A_82 : memref<10000x128xf32, #tpu.memory_space<hbm>>) target(%arg11 : memref<80x128xf32, #tpu.memory_space<vmem>>) offsets(%dma_start3A_79 : memref<80xi32, #tpu.memory_space<vmem>>) semaphore(%arg13 : memref<!tpu.dma_semaphore, #tpu.memory_space<semaphore_mem>>)
      %scan3A_83 = arith.constant 0 : i32
      scf.yield %scan3A_83 : i32
    }
    %scan3A_17 = arith.constant 61 : i32
    %dma_wait3A = arith.constant 0 : i32
    %dma_wait3A_18 = arith.constant 0 : i32
    %dma_wait3A_19 = tpu.memref_slice %arg2[%dma_wait3A, %dma_wait3A_18] : memref<10000x128xf32, #tpu.memory_space<hbm>> -> memref<80x128xf32, #tpu.memory_space<hbm>>
    %dma_wait3A_20 = arith.constant 0 : i32
    %dma_wait3A_21 = arith.constant 0 : i32
    %dma_wait3A_22 = tpu.memref_slice %arg2[%dma_wait3A_20, %dma_wait3A_21] : memref<10000x128xf32, #tpu.memory_space<hbm>> -> memref<80x128xf32, #tpu.memory_space<hbm>>
    tpu.wait_dma2 semaphore(%arg12 : memref<!tpu.dma_semaphore, #tpu.memory_space<semaphore_mem>>) src(%dma_wait3A_22 : memref<80x128xf32, #tpu.memory_space<hbm>>) dst(%arg10 : memref<80x128xf32, #tpu.memory_space<vmem>>)
    %run_scoped3A = arith.constant 122 : i32
    "tpu.region"() ({
      %run_scoped3A_45 = tpu.sem_alloc : memref<!tpu.dma_semaphore, #tpu.memory_space<semaphore_mem>>
      %dma_start3A_46 = arith.constant 0 : i32
      %dma_start3A_47 = tpu.memref_slice %arg8[%run_scoped3A, %dma_start3A_46] : memref<125x80xi32, #tpu.memory_space<vmem>> -> memref<1x80xi32, #tpu.memory_space<vmem>>
      %dma_start3A_48 = tpu.memref_squeeze %dma_start3A_47 : memref<1x80xi32, #tpu.memory_space<vmem>> -> memref<80xi32, #tpu.memory_space<vmem>>
      %dma_start3A_49 = arith.constant 0 : i32
      %dma_start3A_50 = arith.constant 0 : i32
      %dma_start3A_51 = tpu.memref_slice %arg9[%dma_start3A_49, %dma_start3A_50] : memref<10000x128xf32, #tpu.memory_space<vmem_shared>> -> memref<10000x128xf32, #tpu.memory_space<vmem_shared>>
      tpu.enqueue_indirect_dma source(%arg10 : memref<80x128xf32, #tpu.memory_space<vmem>>) target(%dma_start3A_51 : memref<10000x128xf32, #tpu.memory_space<vmem_shared>>) offsets(%dma_start3A_48 : memref<80xi32, #tpu.memory_space<vmem>>) semaphore(%run_scoped3A_45 : memref<!tpu.dma_semaphore, #tpu.memory_space<semaphore_mem>>) {add = true}
      %dma_wait3A_52 = arith.constant 0 : i32
      %dma_wait3A_53 = tpu.memref_slice %arg8[%run_scoped3A, %dma_wait3A_52] : memref<125x80xi32, #tpu.memory_space<vmem>> -> memref<1x80xi32, #tpu.memory_space<vmem>>
      %dma_wait3A_54 = tpu.memref_squeeze %dma_wait3A_53 : memref<1x80xi32, #tpu.memory_space<vmem>> -> memref<80xi32, #tpu.memory_space<vmem>>
      %dma_wait3A_55 = arith.constant 0 : i32
      %dma_wait3A_56 = arith.constant 0 : i32
      %dma_wait3A_57 = tpu.memref_slice %arg9[%dma_wait3A_55, %dma_wait3A_56] : memref<10000x128xf32, #tpu.memory_space<vmem_shared>> -> memref<10000x128xf32, #tpu.memory_space<vmem_shared>>
      tpu.wait_indirect_dma semaphore(%run_scoped3A_45 : memref<!tpu.dma_semaphore, #tpu.memory_space<semaphore_mem>>) src(%arg10 : memref<80x128xf32, #tpu.memory_space<vmem>>) dst(%dma_wait3A_57 : memref<10000x128xf32, #tpu.memory_space<vmem_shared>>)
      tpu.yield
    }) : () -> ()
    %dma_start3A_23 = arith.constant 9920 : i32
    %dma_start3A_24 = tpu.memref_slice %arg7[%dma_start3A_23] : memref<10000xi32, #tpu.memory_space<vmem>> -> memref<80xi32, #tpu.memory_space<vmem>>
    %dma_start3A_25 = arith.constant 0 : i32
    %dma_start3A_26 = arith.constant 0 : i32
    %dma_start3A_27 = tpu.memref_slice %arg2[%dma_start3A_25, %dma_start3A_26] : memref<10000x128xf32, #tpu.memory_space<hbm>> -> memref<10000x128xf32, #tpu.memory_space<hbm>>
    tpu.enqueue_indirect_dma source(%dma_start3A_27 : memref<10000x128xf32, #tpu.memory_space<hbm>>) target(%arg10 : memref<80x128xf32, #tpu.memory_space<vmem>>) offsets(%dma_start3A_24 : memref<80xi32, #tpu.memory_space<vmem>>) semaphore(%arg12 : memref<!tpu.dma_semaphore, #tpu.memory_space<semaphore_mem>>)
    %dma_wait3A_28 = arith.constant 0 : i32
    %dma_wait3A_29 = arith.constant 0 : i32
    %dma_wait3A_30 = tpu.memref_slice %arg2[%dma_wait3A_28, %dma_wait3A_29] : memref<10000x128xf32, #tpu.memory_space<hbm>> -> memref<80x128xf32, #tpu.memory_space<hbm>>
    %dma_wait3A_31 = arith.constant 0 : i32
    %dma_wait3A_32 = arith.constant 0 : i32
    %dma_wait3A_33 = tpu.memref_slice %arg2[%dma_wait3A_31, %dma_wait3A_32] : memref<10000x128xf32, #tpu.memory_space<hbm>> -> memref<80x128xf32, #tpu.memory_space<hbm>>
    tpu.wait_dma2 semaphore(%arg13 : memref<!tpu.dma_semaphore, #tpu.memory_space<semaphore_mem>>) src(%dma_wait3A_33 : memref<80x128xf32, #tpu.memory_space<hbm>>) dst(%arg11 : memref<80x128xf32, #tpu.memory_space<vmem>>)
    %run_scoped3A_34 = arith.constant 123 : i32
    "tpu.region"() ({
      %run_scoped3A_45 = tpu.sem_alloc : memref<!tpu.dma_semaphore, #tpu.memory_space<semaphore_mem>>
      %dma_start3A_46 = arith.constant 0 : i32
      %dma_start3A_47 = tpu.memref_slice %arg8[%run_scoped3A_34, %dma_start3A_46] : memref<125x80xi32, #tpu.memory_space<vmem>> -> memref<1x80xi32, #tpu.memory_space<vmem>>
      %dma_start3A_48 = tpu.memref_squeeze %dma_start3A_47 : memref<1x80xi32, #tpu.memory_space<vmem>> -> memref<80xi32, #tpu.memory_space<vmem>>
      %dma_start3A_49 = arith.constant 0 : i32
      %dma_start3A_50 = arith.constant 0 : i32
      %dma_start3A_51 = tpu.memref_slice %arg9[%dma_start3A_49, %dma_start3A_50] : memref<10000x128xf32, #tpu.memory_space<vmem_shared>> -> memref<10000x128xf32, #tpu.memory_space<vmem_shared>>
      tpu.enqueue_indirect_dma source(%arg11 : memref<80x128xf32, #tpu.memory_space<vmem>>) target(%dma_start3A_51 : memref<10000x128xf32, #tpu.memory_space<vmem_shared>>) offsets(%dma_start3A_48 : memref<80xi32, #tpu.memory_space<vmem>>) semaphore(%run_scoped3A_45 : memref<!tpu.dma_semaphore, #tpu.memory_space<semaphore_mem>>) {add = true}
      %dma_wait3A_52 = arith.constant 0 : i32
      %dma_wait3A_53 = tpu.memref_slice %arg8[%run_scoped3A_34, %dma_wait3A_52] : memref<125x80xi32, #tpu.memory_space<vmem>> -> memref<1x80xi32, #tpu.memory_space<vmem>>
      %dma_wait3A_54 = tpu.memref_squeeze %dma_wait3A_53 : memref<1x80xi32, #tpu.memory_space<vmem>> -> memref<80xi32, #tpu.memory_space<vmem>>
      %dma_wait3A_55 = arith.constant 0 : i32
      %dma_wait3A_56 = arith.constant 0 : i32
      %dma_wait3A_57 = tpu.memref_slice %arg9[%dma_wait3A_55, %dma_wait3A_56] : memref<10000x128xf32, #tpu.memory_space<vmem_shared>> -> memref<10000x128xf32, #tpu.memory_space<vmem_shared>>
      tpu.wait_indirect_dma semaphore(%run_scoped3A_45 : memref<!tpu.dma_semaphore, #tpu.memory_space<semaphore_mem>>) src(%arg11 : memref<80x128xf32, #tpu.memory_space<vmem>>) dst(%dma_wait3A_57 : memref<10000x128xf32, #tpu.memory_space<vmem_shared>>)
      tpu.yield
    }) : () -> ()
    %dma_wait3A_35 = arith.constant 0 : i32
    %dma_wait3A_36 = arith.constant 0 : i32
    %dma_wait3A_37 = tpu.memref_slice %arg2[%dma_wait3A_35, %dma_wait3A_36] : memref<10000x128xf32, #tpu.memory_space<hbm>> -> memref<80x128xf32, #tpu.memory_space<hbm>>
    %dma_wait3A_38 = arith.constant 0 : i32
    %dma_wait3A_39 = arith.constant 0 : i32
    %dma_wait3A_40 = tpu.memref_slice %arg2[%dma_wait3A_38, %dma_wait3A_39] : memref<10000x128xf32, #tpu.memory_space<hbm>> -> memref<80x128xf32, #tpu.memory_space<hbm>>
    tpu.wait_dma2 semaphore(%arg12 : memref<!tpu.dma_semaphore, #tpu.memory_space<semaphore_mem>>) src(%dma_wait3A_40 : memref<80x128xf32, #tpu.memory_space<hbm>>) dst(%arg10 : memref<80x128xf32, #tpu.memory_space<vmem>>)
    %run_scoped3A_41 = arith.constant 124 : i32
    "tpu.region"() ({
      %run_scoped3A_45 = tpu.sem_alloc : memref<!tpu.dma_semaphore, #tpu.memory_space<semaphore_mem>>
      %dma_start3A_46 = arith.constant 0 : i32
      %dma_start3A_47 = tpu.memref_slice %arg8[%run_scoped3A_41, %dma_start3A_46] : memref<125x80xi32, #tpu.memory_space<vmem>> -> memref<1x80xi32, #tpu.memory_space<vmem>>
      %dma_start3A_48 = tpu.memref_squeeze %dma_start3A_47 : memref<1x80xi32, #tpu.memory_space<vmem>> -> memref<80xi32, #tpu.memory_space<vmem>>
      %dma_start3A_49 = arith.constant 0 : i32
      %dma_start3A_50 = arith.constant 0 : i32
      %dma_start3A_51 = tpu.memref_slice %arg9[%dma_start3A_49, %dma_start3A_50] : memref<10000x128xf32, #tpu.memory_space<vmem_shared>> -> memref<10000x128xf32, #tpu.memory_space<vmem_shared>>
      tpu.enqueue_indirect_dma source(%arg10 : memref<80x128xf32, #tpu.memory_space<vmem>>) target(%dma_start3A_51 : memref<10000x128xf32, #tpu.memory_space<vmem_shared>>) offsets(%dma_start3A_48 : memref<80xi32, #tpu.memory_space<vmem>>) semaphore(%run_scoped3A_45 : memref<!tpu.dma_semaphore, #tpu.memory_space<semaphore_mem>>) {add = true}
      %dma_wait3A_52 = arith.constant 0 : i32
      %dma_wait3A_53 = tpu.memref_slice %arg8[%run_scoped3A_41, %dma_wait3A_52] : memref<125x80xi32, #tpu.memory_space<vmem>> -> memref<1x80xi32, #tpu.memory_space<vmem>>
      %dma_wait3A_54 = tpu.memref_squeeze %dma_wait3A_53 : memref<1x80xi32, #tpu.memory_space<vmem>> -> memref<80xi32, #tpu.memory_space<vmem>>
      %dma_wait3A_55 = arith.constant 0 : i32
      %dma_wait3A_56 = arith.constant 0 : i32
      %dma_wait3A_57 = tpu.memref_slice %arg9[%dma_wait3A_55, %dma_wait3A_56] : memref<10000x128xf32, #tpu.memory_space<vmem_shared>> -> memref<10000x128xf32, #tpu.memory_space<vmem_shared>>
      tpu.wait_indirect_dma semaphore(%run_scoped3A_45 : memref<!tpu.dma_semaphore, #tpu.memory_space<semaphore_mem>>) src(%arg10 : memref<80x128xf32, #tpu.memory_space<vmem>>) dst(%dma_wait3A_57 : memref<10000x128xf32, #tpu.memory_space<vmem_shared>>)
      tpu.yield
    }) : () -> ()
    %barrier3A_42 = arith.constant 0 : index
    tpu.barrier barrier_id(%barrier3A_42)
    %mul3A_43 = arith.constant 625 : i32
    %mul3A_44 = arith.muli %arg1, %mul3A_43 : i32
    "tpu.region"() ({
      %run_scoped3A_45 = tpu.sem_alloc : memref<!tpu.dma_semaphore, #tpu.memory_space<semaphore_mem>>
      %dma_start3A_46 = arith.constant 0 : i32
      %dma_start3A_47 = arith.constant 0 : i32
      %dma_start3A_48 = tpu.memref_slice %arg6[%arg0, %arg1, %dma_start3A_46, %dma_start3A_47] : memref<2x16x625x128xf32, #tpu.memory_space<hbm>> -> memref<1x1x625x128xf32, #tpu.memory_space<hbm>>
      %dma_start3A_49 = tpu.memref_squeeze %dma_start3A_48 : memref<1x1x625x128xf32, #tpu.memory_space<hbm>> -> memref<625x128xf32, #tpu.memory_space<hbm>>
      %dma_start3A_50 = arith.constant 0 : i32
      %dma_start3A_51 = tpu.memref_slice %arg9[%mul3A_44, %dma_start3A_50] : memref<10000x128xf32, #tpu.memory_space<vmem_shared>> -> memref<625x128xf32, #tpu.memory_space<vmem_shared>>
      tpu.enqueue_dma source(%dma_start3A_51 : memref<625x128xf32, #tpu.memory_space<vmem_shared>>) target(%dma_start3A_49 : memref<625x128xf32, #tpu.memory_space<hbm>>) target_semaphore(%run_scoped3A_45 : memref<!tpu.dma_semaphore, #tpu.memory_space<semaphore_mem>>)
      %dma_wait3A_52 = arith.constant 0 : i32
      %dma_wait3A_53 = arith.constant 0 : i32
      %dma_wait3A_54 = tpu.memref_slice %arg6[%arg0, %arg1, %dma_wait3A_52, %dma_wait3A_53] : memref<2x16x625x128xf32, #tpu.memory_space<hbm>> -> memref<1x1x625x128xf32, #tpu.memory_space<hbm>>
      %dma_wait3A_55 = tpu.memref_squeeze %dma_wait3A_54 : memref<1x1x625x128xf32, #tpu.memory_space<hbm>> -> memref<625x128xf32, #tpu.memory_space<hbm>>
      %dma_wait3A_56 = arith.constant 0 : i32
      %dma_wait3A_57 = tpu.memref_slice %arg9[%mul3A_44, %dma_wait3A_56] : memref<10000x128xf32, #tpu.memory_space<vmem_shared>> -> memref<625x128xf32, #tpu.memory_space<vmem_shared>>
      tpu.wait_dma2 semaphore(%run_scoped3A_45 : memref<!tpu.dma_semaphore, #tpu.memory_space<semaphore_mem>>) src(%dma_wait3A_57 : memref<625x128xf32, #tpu.memory_space<vmem_shared>>) dst(%dma_wait3A_55 : memref<625x128xf32, #tpu.memory_space<hbm>>)
      tpu.yield
    }) : () -> ()
    return
  }
}

module attributes {stable_mosaic.version = 14 : i64} {
  func.func @_t1_body(%arg0: i32, %arg1: memref<2000x1xf32, #tpu.memory_space<vmem>>, %arg2: memref<2000x1xf32, #tpu.memory_space<vmem>>, %arg3: memref<2000x128xf32, #tpu.memory_space<vmem>>, %arg4: memref<128x128xf32, #tpu.memory_space<vmem>>, %arg5: memref<2000x1xf32, #tpu.memory_space<vmem>>, %arg6: memref<2000x128xf32, #tpu.memory_space<vmem>>) attributes {dimension_semantics = [#tpu.dimension_semantics<arbitrary>], iteration_bounds = array<i64: 5>, scalar_prefetch = 0 : i64, scratch_operands = 0 : i64, tpu.core_type = #tpu.core_type<tc>, window_params = [{transform_indices = @transform_0, window_bounds = array<i64: 2000, 1>}, {transform_indices = @transform_1, window_bounds = array<i64: 2000, 1>}, {transform_indices = @transform_2, window_bounds = array<i64: 2000, 128>}, {pipeline_mode = #tpu.pipeline_mode<synchronous>, transform_indices = @transform_3, window_bounds = array<i64: 128, 128>}, {transform_indices = @transform_4, window_bounds = array<i64: 2000, 1>}, {transform_indices = @transform_5, window_bounds = array<i64: 2000, 128>}]} {
    %get3A = arith.constant 0 : index
    %get3A_0 = arith.constant 0 : index
    %get3A_1 = vector.load %arg1[%get3A, %get3A_0] : memref<2000x1xf32, #tpu.memory_space<vmem>>, vector<2000x1xf32>
    %get3A_2 = arith.constant 0 : index
    %get3A_3 = arith.constant 0 : index
    %get3A_4 = vector.load %arg2[%get3A_2, %get3A_3] : memref<2000x1xf32, #tpu.memory_space<vmem>>, vector<2000x1xf32>
    %add3A = arith.addf %get3A_1, %get3A_4 : vector<2000x1xf32>
    %add3A_5 = arith.constant 1.000000e+00 : f32
    %add3A_6 = vector.broadcast %add3A_5 : f32 to vector<2000x1xf32>
    %add3A_7 = arith.addf %add3A, %add3A_6 : vector<2000x1xf32>
    %rsqrt3A = math.rsqrt %add3A_7 : vector<2000x1xf32>
    %swap3A = arith.constant 0 : index
    %swap3A_8 = arith.constant 0 : index
    %swap3A_9 = vector.load %arg5[%swap3A, %swap3A_8] : memref<2000x1xf32, #tpu.memory_space<vmem>>, vector<2000x1xf32>
    tpu.vector_store %arg5[%swap3A, %swap3A_8], %rsqrt3A {strides = array<i32>} : memref<2000x1xf32, #tpu.memory_space<vmem>>, vector<2000x1xf32>,
    %get3A_10 = arith.constant 0 : index
    %get3A_11 = arith.constant 0 : index
    %get3A_12 = vector.load %arg3[%get3A_10, %get3A_11] : memref<2000x128xf32, #tpu.memory_space<vmem>>, vector<2000x128xf32>
    %get3A_13 = arith.constant 0 : index
    %get3A_14 = arith.constant 0 : index
    %get3A_15 = vector.load %arg4[%get3A_13, %get3A_14] : memref<128x128xf32, #tpu.memory_space<vmem>>, vector<128x128xf32>
    %dot_general3A = arith.constant dense<0.000000e+00> : vector<2000x128xf32>
    %dot_general3A_16 = tpu.matmul %get3A_12, %get3A_15, %dot_general3A {dimension_numbers = #tpu.dot_dimension_numbers<[1], [0], [0], [1], [0, 0, 1, 1], [], []>, transpose_lhs_hint = false} : vector<2000x128xf32>, vector<128x128xf32>, vector<2000x128xf32> -> vector<2000x128xf32>
    %mul3A = vector.broadcast %rsqrt3A : vector<2000x1xf32> to vector<2000x128xf32>
    %mul3A_17 = arith.mulf %dot_general3A_16, %mul3A : vector<2000x128xf32>
    %swap3A_18 = arith.constant 0 : index
    %swap3A_19 = arith.constant 0 : index
    %swap3A_20 = vector.load %arg6[%swap3A_18, %swap3A_19] : memref<2000x128xf32, #tpu.memory_space<vmem>>, vector<2000x128xf32>
    tpu.vector_store %arg6[%swap3A_18, %swap3A_19], %mul3A_17 {strides = array<i32>} : memref<2000x128xf32, #tpu.memory_space<vmem>>, vector<2000x128xf32>,
    return
  }
  func.func @transform_0(%arg0: i32) -> (i32, i32) {
    %c0_i32 = arith.constant 0 : i32
    %c0_i32_0 = arith.constant 0 : i32
    return %arg0, %c0_i32 : i32, i32
  }
  func.func @transform_1(%arg0: i32) -> (i32, i32) {
    %c0_i32 = arith.constant 0 : i32
    %c0_i32_0 = arith.constant 0 : i32
    return %arg0, %c0_i32 : i32, i32
  }
  func.func @transform_2(%arg0: i32) -> (i32, i32) {
    %c0_i32 = arith.constant 0 : i32
    %c0_i32_0 = arith.constant 0 : i32
    return %arg0, %c0_i32 : i32, i32
  }
  func.func @transform_3(%arg0: i32) -> (i32, i32) {
    %c0_i32 = arith.constant 0 : i32
    %c0_i32_0 = arith.constant 0 : i32
    %c0_i32_1 = arith.constant 0 : i32
    return %c0_i32, %c0_i32_0 : i32, i32
  }
  func.func @transform_4(%arg0: i32) -> (i32, i32) {
    %c0_i32 = arith.constant 0 : i32
    %c0_i32_0 = arith.constant 0 : i32
    return %arg0, %c0_i32 : i32, i32
  }
  func.func @transform_5(%arg0: i32) -> (i32, i32) {
    %c0_i32 = arith.constant 0 : i32
    %c0_i32_0 = arith.constant 0 : i32
    return %arg0, %c0_i32 : i32, i32
  }
}

module attributes {stable_mosaic.version = 14 : i64} {
  func.func @_t2_body(%arg0: i32, %arg1: memref<2x2000x128xf32, #tpu.memory_space<vmem>>, %arg2: memref<2000x128xf32, #tpu.memory_space<vmem>>, %arg3: memref<2000x1xf32, #tpu.memory_space<vmem>>, %arg4: memref<1x128xf32, #tpu.memory_space<vmem>>, %arg5: memref<128x128xf32, #tpu.memory_space<vmem>>, %arg6: memref<2000x128xf32, #tpu.memory_space<vmem>>) attributes {dimension_semantics = [#tpu.dimension_semantics<arbitrary>], iteration_bounds = array<i64: 5>, scalar_prefetch = 0 : i64, scratch_operands = 0 : i64, tpu.core_type = #tpu.core_type<tc>, window_params = [{transform_indices = @transform_0, window_bounds = array<i64: 2, 2000, 128>}, {transform_indices = @transform_1, window_bounds = array<i64: 2000, 128>}, {transform_indices = @transform_2, window_bounds = array<i64: 2000, 1>}, {pipeline_mode = #tpu.pipeline_mode<synchronous>, transform_indices = @transform_3, window_bounds = array<i64: 1, 128>}, {pipeline_mode = #tpu.pipeline_mode<synchronous>, transform_indices = @transform_4, window_bounds = array<i64: 128, 128>}, {transform_indices = @transform_5, window_bounds = array<i64: 2000, 128>}]} {
    %get3A = arith.constant 0 : index
    %get3A_0 = arith.constant 0 : index
    %get3A_1 = vector.load %arg3[%get3A, %get3A_0] : memref<2000x1xf32, #tpu.memory_space<vmem>>, vector<2000x1xf32>
    %get3A_2 = arith.constant 0 : index
    %get3A_3 = arith.constant 0 : index
    %get3A_4 = arith.constant 0 : index
    %get3A_5 = vector.load %arg1[%get3A_2, %get3A_3, %get3A_4] : memref<2x2000x128xf32, #tpu.memory_space<vmem>>, vector<1x2000x128xf32>
    %get3A_6 = vector.shape_cast %get3A_5 : vector<1x2000x128xf32> to vector<2000x128xf32>
    %get3A_7 = arith.constant 1 : index
    %get3A_8 = arith.constant 0 : index
    %get3A_9 = arith.constant 0 : index
    %get3A_10 = vector.load %arg1[%get3A_7, %get3A_8, %get3A_9] : memref<2x2000x128xf32, #tpu.memory_space<vmem>>, vector<1x2000x128xf32>
    %get3A_11 = vector.shape_cast %get3A_10 : vector<1x2000x128xf32> to vector<2000x128xf32>
    %add3A = arith.addf %get3A_6, %get3A_11 : vector<2000x128xf32>
    %get3A_12 = arith.constant 0 : index
    %get3A_13 = arith.constant 0 : index
    %get3A_14 = vector.load %arg2[%get3A_12, %get3A_13] : memref<2000x128xf32, #tpu.memory_space<vmem>>, vector<2000x128xf32>
    %add3A_15 = arith.addf %add3A, %get3A_14 : vector<2000x128xf32>
    %mul3A = vector.broadcast %get3A_1 : vector<2000x1xf32> to vector<2000x128xf32>
    %mul3A_16 = arith.mulf %mul3A, %add3A_15 : vector<2000x128xf32>
    %get3A_17 = arith.constant 0 : index
    %get3A_18 = arith.constant 0 : index
    %get3A_19 = vector.load %arg4[%get3A_17, %get3A_18] : memref<1x128xf32, #tpu.memory_space<vmem>>, vector<1x128xf32>
    %add3A_20 = vector.broadcast %get3A_19 : vector<1x128xf32> to vector<2000x128xf32>
    %add3A_21 = arith.addf %mul3A_16, %add3A_20 : vector<2000x128xf32>
    %max3A = arith.constant 0.000000e+00 : f32
    %max3A_22 = vector.broadcast %max3A : f32 to vector<2000x128xf32>
    %max3A_23 = arith.maximumf %add3A_21, %max3A_22 : vector<2000x128xf32>
    %get3A_24 = arith.constant 0 : index
    %get3A_25 = arith.constant 0 : index
    %get3A_26 = vector.load %arg5[%get3A_24, %get3A_25] : memref<128x128xf32, #tpu.memory_space<vmem>>, vector<128x128xf32>
    %dot_general3A = arith.constant dense<0.000000e+00> : vector<2000x128xf32>
    %dot_general3A_27 = tpu.matmul %max3A_23, %get3A_26, %dot_general3A {dimension_numbers = #tpu.dot_dimension_numbers<[1], [0], [0], [1], [0, 0, 1, 1], [], []>, transpose_lhs_hint = false} : vector<2000x128xf32>, vector<128x128xf32>, vector<2000x128xf32> -> vector<2000x128xf32>
    %mul3A_28 = vector.broadcast %get3A_1 : vector<2000x1xf32> to vector<2000x128xf32>
    %mul3A_29 = arith.mulf %dot_general3A_27, %mul3A_28 : vector<2000x128xf32>
    %swap3A = arith.constant 0 : index
    %swap3A_30 = arith.constant 0 : index
    %swap3A_31 = vector.load %arg6[%swap3A, %swap3A_30] : memref<2000x128xf32, #tpu.memory_space<vmem>>, vector<2000x128xf32>
    tpu.vector_store %arg6[%swap3A, %swap3A_30], %mul3A_29 {strides = array<i32>} : memref<2000x128xf32, #tpu.memory_space<vmem>>, vector<2000x128xf32>,
    return
  }
  func.func @transform_0(%arg0: i32) -> (i32, i32, i32) {
    %c0_i32 = arith.constant 0 : i32
    %c0_i32_0 = arith.constant 0 : i32
    %c0_i32_1 = arith.constant 0 : i32
    return %c0_i32, %arg0, %c0_i32_0 : i32, i32, i32
  }
  func.func @transform_1(%arg0: i32) -> (i32, i32) {
    %c0_i32 = arith.constant 0 : i32
    %c0_i32_0 = arith.constant 0 : i32
    return %arg0, %c0_i32 : i32, i32
  }
  func.func @transform_2(%arg0: i32) -> (i32, i32) {
    %c0_i32 = arith.constant 0 : i32
    %c0_i32_0 = arith.constant 0 : i32
    return %arg0, %c0_i32 : i32, i32
  }
  func.func @transform_3(%arg0: i32) -> (i32, i32) {
    %c0_i32 = arith.constant 0 : i32
    %c0_i32_0 = arith.constant 0 : i32
    %c0_i32_1 = arith.constant 0 : i32
    return %c0_i32, %c0_i32_0 : i32, i32
  }
  func.func @transform_4(%arg0: i32) -> (i32, i32) {
    %c0_i32 = arith.constant 0 : i32
    %c0_i32_0 = arith.constant 0 : i32
    %c0_i32_1 = arith.constant 0 : i32
    return %c0_i32, %c0_i32_0 : i32, i32
  }
  func.func @transform_5(%arg0: i32) -> (i32, i32) {
    %c0_i32 = arith.constant 0 : i32
    %c0_i32_0 = arith.constant 0 : i32
    return %arg0, %c0_i32 : i32, i32
  }
}

module attributes {stable_mosaic.version = 14 : i64} {
  func.func @_t3_body(%arg0: i32, %arg1: memref<2x2000x128xf32, #tpu.memory_space<vmem>>, %arg2: memref<2000x128xf32, #tpu.memory_space<vmem>>, %arg3: memref<2000x1xf32, #tpu.memory_space<vmem>>, %arg4: memref<1x128xf32, #tpu.memory_space<vmem>>, %arg5: memref<2000x128xf32, #tpu.memory_space<vmem>>) attributes {dimension_semantics = [#tpu.dimension_semantics<arbitrary>], iteration_bounds = array<i64: 5>, scalar_prefetch = 0 : i64, scratch_operands = 0 : i64, tpu.core_type = #tpu.core_type<tc>, window_params = [{transform_indices = @transform_0, window_bounds = array<i64: 2, 2000, 128>}, {transform_indices = @transform_1, window_bounds = array<i64: 2000, 128>}, {transform_indices = @transform_2, window_bounds = array<i64: 2000, 1>}, {pipeline_mode = #tpu.pipeline_mode<synchronous>, transform_indices = @transform_3, window_bounds = array<i64: 1, 128>}, {transform_indices = @transform_4, window_bounds = array<i64: 2000, 128>}]} {
    %get3A = arith.constant 0 : index
    %get3A_0 = arith.constant 0 : index
    %get3A_1 = vector.load %arg3[%get3A, %get3A_0] : memref<2000x1xf32, #tpu.memory_space<vmem>>, vector<2000x1xf32>
    %get3A_2 = arith.constant 0 : index
    %get3A_3 = arith.constant 0 : index
    %get3A_4 = arith.constant 0 : index
    %get3A_5 = vector.load %arg1[%get3A_2, %get3A_3, %get3A_4] : memref<2x2000x128xf32, #tpu.memory_space<vmem>>, vector<1x2000x128xf32>
    %get3A_6 = vector.shape_cast %get3A_5 : vector<1x2000x128xf32> to vector<2000x128xf32>
    %get3A_7 = arith.constant 1 : index
    %get3A_8 = arith.constant 0 : index
    %get3A_9 = arith.constant 0 : index
    %get3A_10 = vector.load %arg1[%get3A_7, %get3A_8, %get3A_9] : memref<2x2000x128xf32, #tpu.memory_space<vmem>>, vector<1x2000x128xf32>
    %get3A_11 = vector.shape_cast %get3A_10 : vector<1x2000x128xf32> to vector<2000x128xf32>
    %add3A = arith.addf %get3A_6, %get3A_11 : vector<2000x128xf32>
    %get3A_12 = arith.constant 0 : index
    %get3A_13 = arith.constant 0 : index
    %get3A_14 = vector.load %arg2[%get3A_12, %get3A_13] : memref<2000x128xf32, #tpu.memory_space<vmem>>, vector<2000x128xf32>
    %add3A_15 = arith.addf %add3A, %get3A_14 : vector<2000x128xf32>
    %mul3A = vector.broadcast %get3A_1 : vector<2000x1xf32> to vector<2000x128xf32>
    %mul3A_16 = arith.mulf %mul3A, %add3A_15 : vector<2000x128xf32>
    %get3A_17 = arith.constant 0 : index
    %get3A_18 = arith.constant 0 : index
    %get3A_19 = vector.load %arg4[%get3A_17, %get3A_18] : memref<1x128xf32, #tpu.memory_space<vmem>>, vector<1x128xf32>
    %add3A_20 = vector.broadcast %get3A_19 : vector<1x128xf32> to vector<2000x128xf32>
    %add3A_21 = arith.addf %mul3A_16, %add3A_20 : vector<2000x128xf32>
    %swap3A = arith.constant 0 : index
    %swap3A_22 = arith.constant 0 : index
    %swap3A_23 = vector.load %arg5[%swap3A, %swap3A_22] : memref<2000x128xf32, #tpu.memory_space<vmem>>, vector<2000x128xf32>
    tpu.vector_store %arg5[%swap3A, %swap3A_22], %add3A_21 {strides = array<i32>} : memref<2000x128xf32, #tpu.memory_space<vmem>>, vector<2000x128xf32>,
    return
  }
  func.func @transform_0(%arg0: i32) -> (i32, i32, i32) {
    %c0_i32 = arith.constant 0 : i32
    %c0_i32_0 = arith.constant 0 : i32
    %c0_i32_1 = arith.constant 0 : i32
    return %c0_i32, %arg0, %c0_i32_0 : i32, i32, i32
  }
  func.func @transform_1(%arg0: i32) -> (i32, i32) {
    %c0_i32 = arith.constant 0 : i32
    %c0_i32_0 = arith.constant 0 : i32
    return %arg0, %c0_i32 : i32, i32
  }
  func.func @transform_2(%arg0: i32) -> (i32, i32) {
    %c0_i32 = arith.constant 0 : i32
    %c0_i32_0 = arith.constant 0 : i32
    return %arg0, %c0_i32 : i32, i32
  }
  func.func @transform_3(%arg0: i32) -> (i32, i32) {
    %c0_i32 = arith.constant 0 : i32
    %c0_i32_0 = arith.constant 0 : i32
    %c0_i32_1 = arith.constant 0 : i32
    return %c0_i32, %c0_i32_0 : i32, i32
  }
  func.func @transform_4(%arg0: i32) -> (i32, i32) {
    %c0_i32 = arith.constant 0 : i32
    %c0_i32_0 = arith.constant 0 : i32
    return %arg0, %c0_i32 : i32, i32
  }
}

</mosaic_0001>

<sc_bundles>
// kernel: _run.10.cloned.1.call-start
scs
__scs_entry_jumppad:
0x0: {  	(pc) =	sbr.rel $0x88, $3  }
0x1: {  	(tag) =	ssettag $0x0;
	lr =	simm.s32 $0x1  }
0x2: {  	[smem:$0x3F99] =	sst lr;
	_ =	strace $0xD0000000  }
0x3: {  	_ = 	snop  }
0x4: {  	_ = 	snop  }
0x5: {  	_ = 	snop  }
0x6: {  	_ = 	snop  }
0x7: {  	_ = 	snop  }
__scs_overlays_trampoline_lowered:
0x8: {  	[smem:$0x3FA8] =	sst s0  }
0x9: {  	[smem:$0x3FA9] =	sst s1  }
0xa: {  	[smem:$0x3FAA] =	sst s2  }
0xb: {  	[smem:$0x3FAB] =	sst s3  }
0xc: {  	[smem:$0x3FAC] =	sst s4  }
0xd: {  	[smem:$0x3FAD] =	sst s5  }
0xe: {  	[smem:$0x3FAE] =	sst s6  }
0xf: {  	[smem:$0x3FAF] =	sst s7  }
0x10: {  	[smem:$0x3FB0] =	sst s8  }
0x11: {  	[smem:$0x3FB1] =	sst s9;
	s0 =	simm.s32 @!p0 $0x0  }
0x12: {  	s1 =	sld [smem:$0x3F97];
	s0 =	simm.s32 @p0 $0x1  }
0x13: {  	[smem:$0x3FB2] =	sst s0;
	s0 =	simm.s32 @!p1 $0x0  }
0x14: {  	s2 =	sld [smem:$0x3F96];
	s0 =	simm.s32 @p1 $0x1  }
0x15: {  	[smem:$0x3FB3] =	sst s0;
	s0 =	simm.s32 @!p2 $0x0  }
0x16: {  	s3 =	sld [smem:$0x3FDB];
	s0 =	simm.s32 @p2 $0x1  }
0x17: {  	s4 =	simm.s32 $0x1BF5;
	[smem:$0x3FB5] =	sst s0  }
0x18: {  	s0 =	sld [smem:$0x3F98];
	_ =	swait.ge [sflag:s4], $0x0  }
0x19: {  	s7 =	sld [smem:$0x3F99]  }
0x1a: {  	s8 =	sadd.s32 $0xFFFFE003, lr  }
0x1b: {  	s9 =	sadd.s32 $0xFFFFFEF7, lr;
	s5 =	simm.s32 $0xFFFFFFFF;
	p2 =	slt.u32 s8, $0xFFFFF086  }
0x1c: {  	p1 =	slt.u32 s9, $0xF7A;
	s5 =	simm.s32 @!p2 $0x0  }
0x1d: {  	s5 =	simm.s32 @p1 $0x1;
	p0 =	seq.s32 s7, s2  }
0x1e: {  	s7 =	smul.u32 @!p0 $0xF7A, s2;
	p2 =	seq.s32 @!p0 s5, $0x0  }
0x1f: {  	s9 =	smul.u32 $0xF7A, s1;
	s8 =	simm.s32 @!p0 $0x1BF5;
	p2 =	por !p2, p0  }
0x20: {  	[sflag:s8] =	ssyncset.s32 @!p0 $0xFFFFF086;
	s6 =	sadd.s32 @!p0 s3, s7;
	s7 =	simm.s32 @!p0 $0x108  }
0x21: {  	s3 =	sadd.s32 s3, s9;
	s6 =	sadd.s32 @!p0 $0x88, s6;
	s7 =	simm.s32 @p2 $0x1082  }
0x22: {  	[simem:s7], [sflag:s8] =	dma.local @!p0 [hbm:s6], $0xF7A  }
0x23: {  	s9 =	sor.u32 $0xD0000000, s2;
	s6 =	simm.s32 $0x108;
	_ =	swait.ge @!p0 [sflag:s8], $0x0  }
0x24: {  	s3 =	sadd.s32 $0x88, s3;
	s6 =	simm.s32 @!p1 $0x1082;
	[sflag:s4] =	ssyncset.s32 $0xFFFFF086  }
0x25: {  	[simem:s6], [sflag:s4] =	dma.local [hbm:s3], $0xF7A  }
0x26: {  	[smem:$0x3F99] =	sst s1;
	(tag) =	ssettag s2;
	_ =	strace s9  }
0x27: {  	s1 =	sld [smem:$0x3FA9]  }
0x28: {  	s2 =	sld [smem:$0x3FAA]  }
0x29: {  	s4 =	sld [smem:$0x3FAC]  }
0x2a: {  	p0 =	seq.s32 s5, $0x0;
	s5 =	sld [smem:$0x3FAD]  }
0x2b: {  	s6 =	sld [smem:$0x3FAE]  }
0x2c: {  	s7 =	sld [smem:$0x3FAF]  }
0x2d: {  	s3 =	simm.s32 $0x108;
	s8 =	sld [smem:$0x3FB0]  }
0x2e: {  	s3 =	simm.s32 @!p0 $0x1082;
	s9 =	sld [smem:$0x3FB1]  }
0x2f: {  	lr =	sadd.s32 s0, s3;
	s0 =	sld [smem:$0x3FA8]  }
0x30: {  	s3 =	sld [smem:$0x3FAB]  }
0x31: {  	[smem:$0x3FB4] =	sst s10  }
0x32: {  	s10 =	sld [smem:$0x3FB2];
	_ =	sdelay $0x3  }
0x33: {  	p0 =	seq.s32 s10, $0x1;
	s10 =	sld [smem:$0x3FB4];
	_ =	sdelay $0x3  }
0x34: {  	[smem:$0x3FB4] =	sst s10  }
0x35: {  	s10 =	sld [smem:$0x3FB3];
	_ =	sdelay $0x3  }
0x36: {  	p1 =	seq.s32 s10, $0x1;
	s10 =	sld [smem:$0x3FB4];
	_ =	sdelay $0x3  }
0x37: {  	[smem:$0x3FB4] =	sst s10  }
0x38: {  	s10 =	sld [smem:$0x3FB5]  }
0x39: {  	_ = 	snop;
	(pc) =	sbr.ind lr, $3  }
0x3a: {  	_ = 	snop  }
0x3b: {  	_ = 	snop  }
0x3c: {  	p2 =	seq.s32 s10, $0x1;
	s10 =	sld [smem:$0x3FB4]  }
0x3d: {  	_ =	shalt  }
0x3e: {  	_ =	shalt  }
0x3f: {  	_ =	shalt  }
0x40: {  	_ =	shalt  }
0x41: {  	_ =	shalt  }
0x42: {  	_ =	shalt  }
0x43: {  	_ =	shalt  }
0x44: {  	_ =	shalt  }
0x45: {  	_ =	shalt  }
0x46: {  	_ =	shalt  }
0x47: {  	_ =	shalt  }
0x48: {  	_ =	shalt  }
0x49: {  	_ =	shalt  }
0x4a: {  	_ =	shalt  }
0x4b: {  	_ =	shalt  }
0x4c: {  	_ =	shalt  }
0x4d: {  	_ =	shalt  }
0x4e: {  	_ =	shalt  }
0x4f: {  	_ =	shalt  }
0x50: {  	_ =	shalt  }
0x51: {  	_ =	shalt  }
0x52: {  	_ =	shalt  }
0x53: {  	_ =	shalt  }
0x54: {  	_ =	shalt  }
0x55: {  	_ =	shalt  }
0x56: {  	_ =	shalt  }
0x57: {  	_ =	shalt  }
0x58: {  	_ =	shalt  }
0x59: {  	_ =	shalt  }
0x5a: {  	_ =	shalt  }
0x5b: {  	_ =	shalt  }
0x5c: {  	_ =	shalt  }
0x5d: {  	_ =	shalt  }
0x5e: {  	_ =	shalt  }
0x5f: {  	_ =	shalt  }
0x60: {  	_ =	shalt  }
0x61: {  	_ =	shalt  }
0x62: {  	_ =	shalt  }
0x63: {  	_ =	shalt  }
0x64: {  	_ =	shalt  }
0x65: {  	_ =	shalt  }
0x66: {  	_ =	shalt  }
0x67: {  	_ =	shalt  }
0x68: {  	_ =	shalt  }
0x69: {  	_ =	shalt  }
0x6a: {  	_ =	shalt  }
0x6b: {  	_ =	shalt  }
0x6c: {  	_ =	shalt  }
0x6d: {  	_ =	shalt  }
0x6e: {  	_ =	shalt  }
0x6f: {  	_ =	shalt  }
0x70: {  	_ =	shalt  }
0x71: {  	_ =	shalt  }
0x72: {  	_ =	shalt  }
0x73: {  	_ =	shalt  }
0x74: {  	_ =	shalt  }
0x75: {  	_ =	shalt  }
0x76: {  	_ =	shalt  }
0x77: {  	_ =	shalt  }
0x78: {  	_ =	shalt  }
0x79: {  	_ =	shalt  }
0x7a: {  	_ =	shalt  }
0x7b: {  	_ =	shalt  }
0x7c: {  	_ =	shalt  }
0x7d: {  	_ =	shalt  }
0x7e: {  	_ =	shalt  }
0x7f: {  	_ =	shalt  }
0x80: {  	_ =	shalt  }
0x81: {  	_ =	shalt  }
0x82: {  	_ =	shalt  }
0x83: {  	_ =	shalt  }
0x84: {  	_ =	shalt  }
0x85: {  	_ =	shalt  }
0x86: {  	_ =	shalt  }
0x87: {  	_ =	shalt  }
.Lfunc_end0:
.L_simem_size_0:
called_computation_lowered:
.L_overlay_start_0:
0x88: {  	s2 =	sld [smem:$0x3FD9]  }
0x89: {  	s3 =	sld [smem:$0x3FFE];
	_ =	sdelay $0x1  }
0x8a: {  	s1 =	srdreg.scid  }
0x8b: {  	s0 =	sand.u32 $0x1, s1  }
0x8c: {  	s17 =	sshll.u32 s0, $0xA;
	s2 =	sadd.s32 s3, s2  }
0x8d: {  	s2 =	sadd.s32 s2, s17  }
0x8e: {  	[smem:$0x3FC0] =	sst s2  }
0x8f: {  	_ = 	snop  }
0x90: {  	s2 =	sld [smem:$0x3FD0];
	(tm) =	ssettm $0x1  }
0x91: {  	s18 =	sld [smem:$0x3FFB];
	_ =	sdelay $0x3  }
0x92: {  	_ =	strace s18  }
0x93: {  	s3 =	sld [smem:$0x3FFC];
	_ =	sdelay $0x3  }
0x94: {  	_ =	strace s3  }
0x95: {  	s3 =	sld [smem:$0x3FFD];
	_ =	sdelay $0x3  }
0x96: {  	_ =	strace s3  }
0x97: {  	_ =	strace $0x8FFFFFFF  }
0x98: {  	s19 =	sld [smem:$0x3FDB];
	_ =	sdelay $0x1  }
0x99: {  	s4 =	simm.s32 $_scs_section_size  }
0x9a: {  	s5 =	simm.s32 $_size__tile_overlayer_lowered;
	s6 =	simm.s32 $_tile_overlayer_lowered  }
0x9b: {  	s22 =	simm.s32 $0x1BFF;
	s21 =	sshll.u32 s6, $0x1;
	s3 =	sadd.s32 s4, s19  }
0x9c: {  	s7 =	simm.s32 $0x0;
	s20 =	sshll.u32 s5, $0x1;
	s5 =	sadd.s32 s21, s3  }
0x9d: {  	[timem:s7], [sflag:s22] =	dma.local [hbm:s5], s20  }
0x9e: {  	_ =	swait.ge [sflag:s22], s20  }
0x9f: {  	s4 =	ssub.s32 $0x0, s20;
	[sflag:s22] =	ssyncset.done $0x0  }
0xa0: {  	[sflag:s22] =	ssyncadd.s32 s4;
	_ =	sdelay $0x1  }
0xa1: {  	s23 =	simm.s32 $0x1B8B  }
0xa2: {  	_ =	swait.ge [sflag:s23], $0x1  }
0xa3: {  	[sflag:s23] =	ssyncset.done $0x0  }
0xa4: {  	s25 =	simm.s32 $0x1B8E;
	s24 =	sld [smem:$0x3FFE];
	[sflag:s23] =	ssyncadd.s32 $0xFFFFFFFF  }
0xa5: {  	s26 =	simm.s32 $execute0_lowered;
	[smem:$0x3FD2] =	sst s25  }
0xa6: {  	s5 =	sshll.u32 s26, $0x1;
	_ =	strace $0x80000046;
	[dreg:$0x1] =	wrdreg $0xFFFFFFFF  }
0xa7: {  	s28 =	simm.s32 $_size_execute0_lowered;
	s3 =	sadd.s32 s3, s5;
	[dreg:$0x0] =	wrdreg $0x0  }
0xa8: {  	s5 =	sshll.u32 s28, $0x1;
	[dreg:$0x2] =	wrdreg s3  }
0xa9: {  	[dreg:$0x3] =	wrdreg s5  }
0xaa: {  	[dreg:$0x4] =	wrdreg $0xC0  }
0xab: {  	_ =	task [dreg:s7], $0x5FFFF  }
0xac: {  	[dreg:$0x1] =	wrdreg $0xFFFFFFFF  }
0xad: {  	[dreg:$0x0] =	wrdreg $0x60  }
0xae: {  	[dreg:$0x2] =	wrdreg s24  }
0xaf: {  	[dreg:$0x3] =	wrdreg s2  }
0xb0: {  	[dreg:$0x4] =	wrdreg $0x50000  }
0xb1: {  	[dreg:$0x5] =	wrdreg $0x9  }
0xb2: {  	_ =	task.clear_ibuf [dreg:s7], $0x6FFFF;
	_ =	strace $0x90000046  }
0xb3: {  	s29 =	simm.s32 $0x9;
	_ =	strace $0x80000048  }
0xb4: {  	_ =	swait.ge [sflag:s29], $0x1  }
0xb5: {  	[sflag:s29] =	ssyncadd.s32 $0xFFFFFFFF  }
0xb6: {  	_ =	strace $0x90000048  }
0xb7: {  	_ =	sfence  }
0xb8: {  	s30 =	sld [smem:$0x0];
	_ =	sdelay $0x2  }
0xb9: {  	s31 =	sshll.u32 s1, $0xD;
	s1 =	sshrl.u32 s1, $0x2  }
0xba: {  	s3 =	sand.u32 $0x4000, s31;
	s1 =	sadd.s32 s1, s30  }
0xbb: {  	s0 =	sor.u32 s3, s0;
	s1 =	sshll.u32 s1, $0x11  }
0xbc: {  	s0 =	sor.u32 s1, s0  }
0xbd: {  	s0 =	sadd.s32 $0x8F2B, s0  }
0xbe: {  	[sflag:s0] =	ssyncadd.remote.s32 $0x1  }
0xbf: {  	_ =	sfence.sel $0xFFFF  }
0xc0: {  	[dreg:$0x0] =	wrdreg $0xFFFFFFFF;
	(pc) =	sbr.abs _section_cstart, $3  }
0xc1: {  	[dreg:$0x1] =	wrdreg $0xFFFFFFFF  }
0xc2: {  	_ =	task.clear_ibuf [dreg:s7], $0x2FFFF;
	_ =	strace $0x9FFFFFFF  }
0xc3: {  	(tm) =	ssettm $0x7FFFFFFF  }
tec
execute0_lowered:
.L_overlay_start_1:
0x0: {  	(tag) =	ssettag $0x1  }
0x1: {  	s5 =	rddreg [dreg:$0x0]  }
0x2: {  	s0 =	srdreg.scid;
	s6 =	rddreg [dreg:$0x1]  }
0x3: {  	s2 =	rddreg [dreg:$0x2];
	s11 =	simm.s32 $0x2780;
	s12 =	simm.s32 $0x50  }
0x4: {  	s13 =	simm.s32 $0x4F80;
	s4 =	sand.u32 $0x1, s0;
	s0 =	stileid.u32  }
0x5: {  	s16 =	simm.s32 $0x0;
	s15 =	sshrl.u32 s2, $0x3;
	s9 =	smul.u32 $0xA00, s0  }
0x6: {  	s1 =	sshll.u32 s4, $0x4;
	s8 =	sshll.u32 s0, $0x7;
	s30 =	smul.u32 $0x28000, s4  }
0x7: {  	s4 =	ssub.s32 $0x2, s4;
	s10 =	smul.u32 $0x2800, s0;
	s1 =	sor.u32 s0, s1  }
0x8: {  	s14 =	sshll.u32 s0, $0x6;
	s8 =	sand.u32 $0x380, s8;
	s3 =	sshrl.u32 s1, $0x3  }
0x9: {  	s1 =	rddreg [dreg:$0x3];
	s7 =	smul.u32 $0x13C00, s3;
	s3 =	simm.s32 $0x0  }
0xa: {  	s31 =	sshrl.u32 s4, $0x1;
	s14 =	sor.u32 $0x1C01, s14;
	[smem:$0x7FF] =	sst s3  }
0xb: {  	s9 =	sshrl.u32 s9, $0x2;
	s7 =	sor.u32 s8, s7;
	_ =	strace $0x80000047  }
0xc: {  	s8 =	sadd.s32 s10, s30;
	s10 =	simm.s32 $0x1;
	s7 =	sshrl.u32 s7, $0x3  }
0xd: {  	v0 =	vlaneseq.u32;
	s8 =	sshrl.u32 s8, $0x3;
	s5 =	sadd.s32 s7, s5;
	s7 =	ssub.s32 s4, s31  }
0xe: {  	v1 =	vimm.f32 $0.0e+00;
	v6 =	vimm.f32 $1.000000000e+00;
	v2 =	vor.u32 $0x10, v0;
	s6 =	sadd.s32 s6, s8;
	s8 =	simm.s32 $0x80;
	s4 =	sadd.s32 $0x3800, s5  }
0xf: {  	v3 =	vor.u32 $0x20, v0;
	v4 =	vor.u32 $0x30, v0;
	v5 =	vor.u32 $0x40, v0;
	s5 =	sadd.s32 s9, s2;
	s7 =	smax.u32 s7, $0x1;
	s9 =	simm.s32 $0x400  }
.LBB2_1:
0x10: {  	[tilespmem:s3], [sflag:$0x1] =	stream.strided.gather [hbm4b:s4+s8], $0x2780, s9, s8, $0x38;
	[tilespmem:$0x5280] =	vst v63  }
0x11: {  	s17 =	sand.u32 $0xFE00, s3;
	s18 =	sand.u32 $0x70, s3;
	_ =	swait.ge [sflag:s10], $0x2780  }
0x12: {  	s19 =	sshrl.u32 s17, $0x2;
	s17 =	simm.s32 $0x40;
	[sflag:s10] =	ssyncset.done $0x0  }
0x13: {  	s19 =	sor.u32 s18, s19;
	s18 =	simm.s32 $0x0;
	[sflag:s10] =	ssyncadd.s32 $0xFFFFD880  }
.LBB2_2:
0x14: {  	p0 =	sne.s32 s17, $0x9FC0  }
0x15: {  	[tilespmem:s19+$0x2780] =	vst v1;
	s18 =	sadd.s32 $0x10, s18;
	s19 =	smov.u32 s17;
	s17 =	sadd.s32 $0x40, s17  }
.Ltmp0:
0x16: {  	(pc) =	sbr.rel @p0 .LBB2_2-.Ltmp0, $4  }
0x17: {  	_ = 	snop  }
0x18: {  	s19 =	sand.u32 $0xFE00, s19  }
0x19: {  	s20 =	sand.u32 $0x70, s18;
	s19 =	sshrl.u32 s19, $0x2  }
0x1a: {  	s19 =	sor.u32 s20, s19  }
0x1b: {  	[tilespmem:s19+$0x2780] =	vst v1  }
0x1c: {  	[tilespmem:$0x4F80] =	vst v0  }
0x1d: {  	[tilespmem:$0x4F90] =	vst v2  }
0x1e: {  	[tilespmem:$0x4FA0] =	vst v3  }
0x1f: {  	[tilespmem:$0x4FB0] =	vst v4  }
0x20: {  	[tilespmem:$0x4FC0] =	vst v5  }
0x21: {  	[spmem:s5] =	stream.linear.scatter [tilespmem:s11], [sflag:$0x1], $0x280, $0x38;
	[tilespmem:$0x5280] =	vst v63  }
0x22: {  	_ =	swait.ge [sflag:s10], $0x280  }
0x23: {  	[sflag:s10] =	ssyncset.done $0x0  }
0x24: {  	[sflag:s10] =	ssyncadd.s32 $0xFFFFFD80  }
0x25: {  	s18 =	simm.s32 $0x0;
	s17 =	simm.s32 $0x40;
	[bflag:$0x0] =	sbarrier.arrive $0xFFFF  }
.LBB2_4:
0x26: {  	p0 =	sne.s32 s17, $0x9C00;
	v7 =	vld [tilespmem:s18+$0x0];
	_ =	sdelay $0x3  }
.Ltmp1:
0x27: {  	(pc) =	sbr.rel @p0 .LBB2_4-.Ltmp1, $2  }
0x28: {  	_ =	sdelay $0x2  }
0x29: {  	s18 =	sshra.s32 s17, $0x2;
	s17 =	sadd.s32 $0x40, s17;
	[tilespmem:v7+s11+$0x0] =	vst.idx.add.f32.msk $0xffff, v6  }
0x2a: {  	v7 =	vld [tilespmem:s18+$0x0];
	_ =	sdelay $0x7  }
0x2b: {  	[tilespmem:v7+s11+$0x0] =	vst.idx.add.f32.msk $0xffff, v6  }
0x2c: {  	[spmem:s2] =	stream.indirect.scatter.add.f32 [tilespmem:s11], [sflag:$0x1], $0x80, s13, s12, $0xb8;
	[tilespmem:$0x5280] =	vst v63  }
0x2d: {  	_ =	swait.ge [sflag:s10], $0x2800  }
0x2e: {  	s16 =	sadd.s32 $0x1, s16;
	[sflag:s10] =	ssyncset.done $0x0  }
0x2f: {  	p0 =	sne.s32 s16, s7;
	[sflag:s10] =	ssyncadd.s32 $0xFFFFD800  }
.Ltmp2:
0x30: {  	[bflag:$0x0] =	sbarrier.arrive $0xFFFF;
	(pc) =	sbr.rel @p0 .LBB2_1-.Ltmp2, $4  }
0x31: {  	[hbm:s6], [sflag:s14] =	dma.local [spmem:s15], $0x500  }
0x32: {  	_ =	swait.ge [sflag:s10], $0x500  }
0x33: {  	[sflag:s10] =	ssyncset.done $0x0  }
0x34: {  	[sflag:s10] =	ssyncadd.s32 $0xFFFFFB00  }
0x35: {  	_ =	sfence.sel $0x180000  }
0x36: {  	[bflag:$0x0] =	sbarrier.arrive $0xFFFF  }
0x37: {  	p0 =	sne.s32 s0, $0x0;
	_ =	strace $0x90000047  }
0x38: {  	s0 =	sadd.s32 @!p0 $0x100000, s1;
	[bflag:$0x2] =	sbarrier.arrive $0xFFFF  }
0x39: {  	[sflag:s0] =	ssyncadd.tile.s32 @!p0 $0x1;
	_ =	shalt  }
.Lfunc_end2:
_tile_overlayer_lowered:
.L_overlay_start_2:
0x3a: {  	(tag) =	ssettag $0x2  }
0x3b: {  	s0 =	rddreg [dreg:$0x0];
	s2 =	stileid.u32  }
0x3c: {  	s1 =	rddreg [dreg:$0x1];
	p0 =	sne.s32 s2, $0x0  }
0x3d: {  	s3 =	rddreg [dreg:$0x2];
	[bflag:$0x3] =	sbarrier.arrive $0xFFFF;
	s2 =	simm.s32 @!p0 $0x1C01  }
0x3e: {  	[timem:s3], [sflag:s2] =	dma.local @!p0 [hbm:s0], s1  }
0x3f: {  	s0 =	simm.s32 @!p0 $0x1  }
0x40: {  	_ =	swait.ge @!p0 [sflag:s0], s1  }
0x41: {  	s1 =	ssub.s32 @!p0 $0x0, s1;
	[sflag:s0] =	ssyncset.done @!p0 $0x0  }
0x42: {  	[sflag:s0] =	ssyncadd.s32 @!p0 s1  }
0x43: {  	[bflag:$0x3] =	sbarrier.arrive $0xFFFF  }
0x44: {  	_ =	shalt  }

// kernel: _run.13.cloned.1.call-start
scs
__scs_entry_jumppad:
0x0: {  	(pc) =	sbr.rel $0x88, $3  }
0x1: {  	(tag) =	ssettag $0x0;
	lr =	simm.s32 $0x1  }
0x2: {  	[smem:$0x3F99] =	sst lr;
	_ =	strace $0xD0000000  }
0x3: {  	_ = 	snop  }
0x4: {  	_ = 	snop  }
0x5: {  	_ = 	snop  }
0x6: {  	_ = 	snop  }
0x7: {  	_ = 	snop  }
__scs_overlays_trampoline_lowered:
0x8: {  	[smem:$0x3FA8] =	sst s0  }
0x9: {  	[smem:$0x3FA9] =	sst s1  }
0xa: {  	[smem:$0x3FAA] =	sst s2  }
0xb: {  	[smem:$0x3FAB] =	sst s3  }
0xc: {  	[smem:$0x3FAC] =	sst s4  }
0xd: {  	[smem:$0x3FAD] =	sst s5  }
0xe: {  	[smem:$0x3FAE] =	sst s6  }
0xf: {  	[smem:$0x3FAF] =	sst s7  }
0x10: {  	[smem:$0x3FB0] =	sst s8  }
0x11: {  	[smem:$0x3FB1] =	sst s9;
	s0 =	simm.s32 @!p0 $0x0  }
0x12: {  	s1 =	sld [smem:$0x3F97];
	s0 =	simm.s32 @p0 $0x1  }
0x13: {  	[smem:$0x3FB2] =	sst s0;
	s0 =	simm.s32 @!p1 $0x0  }
0x14: {  	s2 =	sld [smem:$0x3F96];
	s0 =	simm.s32 @p1 $0x1  }
0x15: {  	[smem:$0x3FB3] =	sst s0;
	s0 =	simm.s32 @!p2 $0x0  }
0x16: {  	s3 =	sld [smem:$0x3FDB];
	s0 =	simm.s32 @p2 $0x1  }
0x17: {  	s4 =	simm.s32 $0x1BF5;
	[smem:$0x3FB5] =	sst s0  }
0x18: {  	s0 =	sld [smem:$0x3F98];
	_ =	swait.ge [sflag:s4], $0x0  }
0x19: {  	s7 =	sld [smem:$0x3F99]  }
0x1a: {  	s8 =	sadd.s32 $0xFFFFE003, lr  }
0x1b: {  	s9 =	sadd.s32 $0xFFFFFEF7, lr;
	s5 =	simm.s32 $0xFFFFFFFF;
	p2 =	slt.u32 s8, $0xFFFFF086  }
0x1c: {  	p1 =	slt.u32 s9, $0xF7A;
	s5 =	simm.s32 @!p2 $0x0  }
0x1d: {  	s5 =	simm.s32 @p1 $0x1;
	p0 =	seq.s32 s7, s2  }
0x1e: {  	s7 =	smul.u32 @!p0 $0xF7A, s2;
	p2 =	seq.s32 @!p0 s5, $0x0  }
0x1f: {  	s9 =	smul.u32 $0xF7A, s1;
	s8 =	simm.s32 @!p0 $0x1BF5;
	p2 =	por !p2, p0  }
0x20: {  	[sflag:s8] =	ssyncset.s32 @!p0 $0xFFFFF086;
	s6 =	sadd.s32 @!p0 s3, s7;
	s7 =	simm.s32 @!p0 $0x108  }
0x21: {  	s3 =	sadd.s32 s3, s9;
	s6 =	sadd.s32 @!p0 $0x88, s6;
	s7 =	simm.s32 @p2 $0x1082  }
0x22: {  	[simem:s7], [sflag:s8] =	dma.local @!p0 [hbm:s6], $0xF7A  }
0x23: {  	s9 =	sor.u32 $0xD0000000, s2;
	s6 =	simm.s32 $0x108;
	_ =	swait.ge @!p0 [sflag:s8], $0x0  }
0x24: {  	s3 =	sadd.s32 $0x88, s3;
	s6 =	simm.s32 @!p1 $0x1082;
	[sflag:s4] =	ssyncset.s32 $0xFFFFF086  }
0x25: {  	[simem:s6], [sflag:s4] =	dma.local [hbm:s3], $0xF7A  }
0x26: {  	[smem:$0x3F99] =	sst s1;
	(tag) =	ssettag s2;
	_ =	strace s9  }
0x27: {  	s1 =	sld [smem:$0x3FA9]  }
0x28: {  	s2 =	sld [smem:$0x3FAA]  }
0x29: {  	s4 =	sld [smem:$0x3FAC]  }
0x2a: {  	p0 =	seq.s32 s5, $0x0;
	s5 =	sld [smem:$0x3FAD]  }
0x2b: {  	s6 =	sld [smem:$0x3FAE]  }
0x2c: {  	s7 =	sld [smem:$0x3FAF]  }
0x2d: {  	s3 =	simm.s32 $0x108;
	s8 =	sld [smem:$0x3FB0]  }
0x2e: {  	s3 =	simm.s32 @!p0 $0x1082;
	s9 =	sld [smem:$0x3FB1]  }
0x2f: {  	lr =	sadd.s32 s0, s3;
	s0 =	sld [smem:$0x3FA8]  }
0x30: {  	s3 =	sld [smem:$0x3FAB]  }
0x31: {  	[smem:$0x3FB4] =	sst s10  }
0x32: {  	s10 =	sld [smem:$0x3FB2];
	_ =	sdelay $0x3  }
0x33: {  	p0 =	seq.s32 s10, $0x1;
	s10 =	sld [smem:$0x3FB4];
	_ =	sdelay $0x3  }
0x34: {  	[smem:$0x3FB4] =	sst s10  }
0x35: {  	s10 =	sld [smem:$0x3FB3];
	_ =	sdelay $0x3  }
0x36: {  	p1 =	seq.s32 s10, $0x1;
	s10 =	sld [smem:$0x3FB4];
	_ =	sdelay $0x3  }
0x37: {  	[smem:$0x3FB4] =	sst s10  }
0x38: {  	s10 =	sld [smem:$0x3FB5]  }
0x39: {  	_ = 	snop;
	(pc) =	sbr.ind lr, $3  }
0x3a: {  	_ = 	snop  }
0x3b: {  	_ = 	snop  }
0x3c: {  	p2 =	seq.s32 s10, $0x1;
	s10 =	sld [smem:$0x3FB4]  }
0x3d: {  	_ =	shalt  }
0x3e: {  	_ =	shalt  }
0x3f: {  	_ =	shalt  }
0x40: {  	_ =	shalt  }
0x41: {  	_ =	shalt  }
0x42: {  	_ =	shalt  }
0x43: {  	_ =	shalt  }
0x44: {  	_ =	shalt  }
0x45: {  	_ =	shalt  }
0x46: {  	_ =	shalt  }
0x47: {  	_ =	shalt  }
0x48: {  	_ =	shalt  }
0x49: {  	_ =	shalt  }
0x4a: {  	_ =	shalt  }
0x4b: {  	_ =	shalt  }
0x4c: {  	_ =	shalt  }
0x4d: {  	_ =	shalt  }
0x4e: {  	_ =	shalt  }
0x4f: {  	_ =	shalt  }
0x50: {  	_ =	shalt  }
0x51: {  	_ =	shalt  }
0x52: {  	_ =	shalt  }
0x53: {  	_ =	shalt  }
0x54: {  	_ =	shalt  }
0x55: {  	_ =	shalt  }
0x56: {  	_ =	shalt  }
0x57: {  	_ =	shalt  }
0x58: {  	_ =	shalt  }
0x59: {  	_ =	shalt  }
0x5a: {  	_ =	shalt  }
0x5b: {  	_ =	shalt  }
0x5c: {  	_ =	shalt  }
0x5d: {  	_ =	shalt  }
0x5e: {  	_ =	shalt  }
0x5f: {  	_ =	shalt  }
0x60: {  	_ =	shalt  }
0x61: {  	_ =	shalt  }
0x62: {  	_ =	shalt  }
0x63: {  	_ =	shalt  }
0x64: {  	_ =	shalt  }
0x65: {  	_ =	shalt  }
0x66: {  	_ =	shalt  }
0x67: {  	_ =	shalt  }
0x68: {  	_ =	shalt  }
0x69: {  	_ =	shalt  }
0x6a: {  	_ =	shalt  }
0x6b: {  	_ =	shalt  }
0x6c: {  	_ =	shalt  }
0x6d: {  	_ =	shalt  }
0x6e: {  	_ =	shalt  }
0x6f: {  	_ =	shalt  }
0x70: {  	_ =	shalt  }
0x71: {  	_ =	shalt  }
0x72: {  	_ =	shalt  }
0x73: {  	_ =	shalt  }
0x74: {  	_ =	shalt  }
0x75: {  	_ =	shalt  }
0x76: {  	_ =	shalt  }
0x77: {  	_ =	shalt  }
0x78: {  	_ =	shalt  }
0x79: {  	_ =	shalt  }
0x7a: {  	_ =	shalt  }
0x7b: {  	_ =	shalt  }
0x7c: {  	_ =	shalt  }
0x7d: {  	_ =	shalt  }
0x7e: {  	_ =	shalt  }
0x7f: {  	_ =	shalt  }
0x80: {  	_ =	shalt  }
0x81: {  	_ =	shalt  }
0x82: {  	_ =	shalt  }
0x83: {  	_ =	shalt  }
0x84: {  	_ =	shalt  }
0x85: {  	_ =	shalt  }
0x86: {  	_ =	shalt  }
0x87: {  	_ =	shalt  }
.Lfunc_end0:
.L_simem_size_0:
called_computation.1_lowered:
.L_overlay_start_0:
0x88: {  	s2 =	sld [smem:$0x3FD9]  }
0x89: {  	s3 =	sld [smem:$0x3FFE];
	_ =	sdelay $0x1  }
0x8a: {  	s1 =	srdreg.scid  }
0x8b: {  	s0 =	sand.u32 $0x1, s1  }
0x8c: {  	s17 =	sshll.u32 s0, $0xA;
	s2 =	sadd.s32 s3, s2  }
0x8d: {  	s2 =	sadd.s32 s2, s17  }
0x8e: {  	[smem:$0x3FC0] =	sst s2  }
0x8f: {  	_ = 	snop  }
0x90: {  	s2 =	sld [smem:$0x3FD0];
	(tm) =	ssettm $0x1  }
0x91: {  	s18 =	sld [smem:$0x3FFB];
	_ =	sdelay $0x3  }
0x92: {  	_ =	strace s18  }
0x93: {  	s3 =	sld [smem:$0x3FFC];
	_ =	sdelay $0x3  }
0x94: {  	_ =	strace s3  }
0x95: {  	s3 =	sld [smem:$0x3FFD];
	_ =	sdelay $0x3  }
0x96: {  	_ =	strace s3  }
0x97: {  	_ =	strace $0x8FFFFFFF  }
0x98: {  	s19 =	sld [smem:$0x3FDB];
	_ =	sdelay $0x1  }
0x99: {  	s4 =	simm.s32 $_scs_section_size  }
0x9a: {  	s5 =	simm.s32 $_size__tile_overlayer_lowered;
	s6 =	simm.s32 $_tile_overlayer_lowered  }
0x9b: {  	s22 =	simm.s32 $0x1BFF;
	s21 =	sshll.u32 s6, $0x1;
	s3 =	sadd.s32 s4, s19  }
0x9c: {  	s7 =	simm.s32 $0x0;
	s20 =	sshll.u32 s5, $0x1;
	s5 =	sadd.s32 s21, s3  }
0x9d: {  	[timem:s7], [sflag:s22] =	dma.local [hbm:s5], s20  }
0x9e: {  	_ =	swait.ge [sflag:s22], s20  }
0x9f: {  	s4 =	ssub.s32 $0x0, s20;
	[sflag:s22] =	ssyncset.done $0x0  }
0xa0: {  	[sflag:s22] =	ssyncadd.s32 s4;
	_ =	sdelay $0x1  }
0xa1: {  	s23 =	simm.s32 $0x1B8B  }
0xa2: {  	_ =	swait.ge [sflag:s23], $0x1  }
0xa3: {  	[sflag:s23] =	ssyncset.done $0x0  }
0xa4: {  	s25 =	simm.s32 $0x1B8E;
	s24 =	sld [smem:$0x3FFE];
	[sflag:s23] =	ssyncadd.s32 $0xFFFFFFFF  }
0xa5: {  	s26 =	simm.s32 $execute0_lowered;
	[smem:$0x3FD2] =	sst s25  }
0xa6: {  	s5 =	sshll.u32 s26, $0x1;
	_ =	strace $0x80000049;
	[dreg:$0x1] =	wrdreg $0xFFFFFFFF  }
0xa7: {  	s28 =	simm.s32 $_size_execute0_lowered;
	s3 =	sadd.s32 s3, s5;
	[dreg:$0x0] =	wrdreg $0x0  }
0xa8: {  	s5 =	sshll.u32 s28, $0x1;
	[dreg:$0x2] =	wrdreg s3  }
0xa9: {  	[dreg:$0x3] =	wrdreg s5  }
0xaa: {  	[dreg:$0x4] =	wrdreg $0xC0  }
0xab: {  	_ =	task [dreg:s7], $0x5FFFF  }
0xac: {  	[dreg:$0x1] =	wrdreg $0xFFFFFFFF  }
0xad: {  	[dreg:$0x0] =	wrdreg $0x60  }
0xae: {  	[dreg:$0x2] =	wrdreg s2  }
0xaf: {  	[dreg:$0x3] =	wrdreg s24  }
0xb0: {  	[dreg:$0x4] =	wrdreg $0x67800  }
0xb1: {  	[dreg:$0x5] =	wrdreg $0x9  }
0xb2: {  	_ =	task.clear_ibuf [dreg:s7], $0x6FFFF;
	_ =	strace $0x90000049  }
0xb3: {  	s29 =	simm.s32 $0x9;
	_ =	strace $0x8000004B  }
0xb4: {  	_ =	swait.ge [sflag:s29], $0x1  }
0xb5: {  	[sflag:s29] =	ssyncadd.s32 $0xFFFFFFFF  }
0xb6: {  	_ =	strace $0x9000004B  }
0xb7: {  	_ =	sfence  }
0xb8: {  	s30 =	sld [smem:$0x0];
	_ =	sdelay $0x2  }
0xb9: {  	s31 =	sshll.u32 s1, $0xD;
	s1 =	sshrl.u32 s1, $0x2  }
0xba: {  	s3 =	sand.u32 $0x4000, s31;
	s1 =	sadd.s32 s1, s30  }
0xbb: {  	s0 =	sor.u32 s3, s0;
	s1 =	sshll.u32 s1, $0x11  }
0xbc: {  	s0 =	sor.u32 s1, s0  }
0xbd: {  	s0 =	sadd.s32 $0x8F2B, s0  }
0xbe: {  	[sflag:s0] =	ssyncadd.remote.s32 $0x1  }
0xbf: {  	_ =	sfence.sel $0xFFFF  }
0xc0: {  	[dreg:$0x0] =	wrdreg $0xFFFFFFFF;
	(pc) =	sbr.abs _section_cstart, $3  }
0xc1: {  	[dreg:$0x1] =	wrdreg $0xFFFFFFFF  }
0xc2: {  	_ =	task.clear_ibuf [dreg:s7], $0x2FFFF;
	_ =	strace $0x9FFFFFFF  }
0xc3: {  	(tm) =	ssettm $0x7FFFFFFF  }
tec
execute0_lowered:
.L_overlay_start_1:
0x0: {  	(tag) =	ssettag $0x1  }
0x1: {  	s1 =	rddreg [dreg:$0x0]  }
0x2: {  	s0 =	srdreg.scid;
	s6 =	rddreg [dreg:$0x1]  }
0x3: {  	s3 =	rddreg [dreg:$0x2];
	s12 =	simm.s32 $0x3;
	s13 =	simm.s32 $0x2780  }
0x4: {  	s16 =	simm.s32 $0x50;
	s17 =	simm.s32 $0x1A000;
	s18 =	simm.s32 $0x1C800  }
0x5: {  	s19 =	simm.s32 $0x1;
	s20 =	simm.s32 $0x2;
	s21 =	simm.s32 $0x6480  }
0x6: {  	s22 =	simm.s32 $0x26C0;
	s23 =	simm.s32 $0x6500;
	s5 =	sand.u32 $0x1, s0  }
0x7: {  	s24 =	simm.s32 $0x6580;
	s0 =	stileid.u32;
	s10 =	smul.u32 $0x13C000, s5  }
0x8: {  	s25 =	simm.s32 $0x0;
	s2 =	sshll.u32 s5, $0x4;
	s28 =	smul.u32 $0x13C00, s0  }
0x9: {  	s9 =	sshll.u32 s0, $0x7;
	s29 =	ssub.s32 $0x2, s5;
	s11 =	smul.u32 $0x4E200, s0  }
0xa: {  	s5 =	sadd.s32 $0x3800, s6;
	s14 =	sshll.u32 s0, $0x6;
	s7 =	sor.u32 s0, s2  }
0xb: {  	s2 =	rddreg [dreg:$0x3];
	s9 =	sand.u32 $0x380, s9;
	s30 =	sshrl.u32 s29, $0x1  }
0xc: {  	s14 =	sor.u32 $0x1C03, s14;
	s4 =	sshrl.u32 s7, $0x3;
	s7 =	sshll.u32 s7, $0xB  }
0xd: {  	s31 =	sshrl.u32 s11, $0x2;
	s11 =	simm.s32 $0x400;
	s8 =	smul.u32 $0x13C00, s4  }
0xe: {  	s4 =	simm.s32 $0x0;
	s7 =	sadd.s32 s7, s6;
	s15 =	sadd.s32 s31, s3  }
0xf: {  	[smem:$0x7FF] =	sst s4;
	s7 =	sadd.s32 $0xD600, s7;
	s8 =	sor.u32 s9, s8  }
0x10: {  	s15 =	sshrl.u32 s15, $0x3;
	s9 =	sadd.s32 s28, s10;
	s8 =	sshrl.u32 s8, $0x3  }
0x11: {  	_ =	strace $0x8000004A;
	s9 =	sshrl.u32 s9, $0x3;
	s8 =	sadd.s32 s8, s6  }
0x12: {  	s10 =	ssub.s32 s29, s30;
	s9 =	sadd.s32 s9, s6;
	s6 =	sadd.s32 $0x1D600, s8  }
0x13: {  	s8 =	sadd.s32 $0x27400, s9;
	s9 =	smax.u32 s10, $0x1;
	s10 =	simm.s32 $0x80  }
.LBB2_1:
0x14: {  	[tilespmem:s4], [sflag:$0x3] =	stream.strided.gather [hbm4b:s6+s10], $0x2780, s11, s10, $0x38;
	[tilespmem:$0x1F000] =	vst v63  }
0x15: {  	_ =	swait.ge [sflag:s12], $0x2780  }
0x16: {  	[sflag:s12] =	ssyncset.done $0x0  }
0x17: {  	[sflag:s12] =	ssyncadd.s32 $0xFFFFD880  }
0x18: {  	[tilespmem:s13], [sflag:$0x3] =	stream.linear.gather [hbm4b:s7+s4], $0x3E80, $0x38;
	[tilespmem:$0x1F000] =	vst v63  }
0x19: {  	_ =	swait.ge [sflag:s12], $0x3E80  }
0x1a: {  	[sflag:s12] =	ssyncset.done $0x0  }
0x1b: {  	[sflag:s12] =	ssyncadd.s32 $0xFFFFC180  }
0x1c: {  	[spmem:s15], [sflag:s14] =	dma.local [hbm:s5], $0x2710  }
0x1d: {  	_ =	swait.ge [sflag:s12], $0x2710  }
0x1e: {  	[sflag:s12] =	ssyncset.done $0x0  }
0x1f: {  	[sflag:s12] =	ssyncadd.s32 $0xFFFFD8F0  }
0x20: {  	[bflag:$0x0] =	sbarrier.arrive $0xFFFF  }
0x21: {  	[tilespmem:s17], [sflag:$0x1] =	stream.indirect.gather [hbm4b:s1+s16], $0x80, s4, s16, $0xb8;
	[tilespmem:$0x1F000] =	vst v63  }
0x22: {  	_ = 	snop  }
0x23: {  	[tilespmem:s18], [sflag:$0x2] =	stream.indirect.gather [hbm4b:s1+s16], $0x80, s16, s16, $0xb8;
	[tilespmem:$0x1F000] =	vst v63  }
0x24: {  	_ =	swait.ge [sflag:s19], $0x2800  }
0x25: {  	[sflag:s19] =	ssyncset.done $0x0  }
0x26: {  	s26 =	simm.s32 $0x2780;
	[sflag:s19] =	ssyncadd.s32 $0xFFFFD800  }
0x27: {  	[spmem:s3] =	stream.indirect.scatter.add.f32 [tilespmem:s17], [sflag:$0x3], $0x80, s26, s16, $0xb8;
	[tilespmem:$0x1F000] =	vst v63  }
0x28: {  	_ =	swait.ge [sflag:s12], $0x2800  }
0x29: {  	[sflag:s12] =	ssyncset.done $0x0  }
0x2a: {  	s30 =	simm.s32 $0xA0;
	[sflag:s12] =	ssyncadd.s32 $0xFFFFD800  }
0x2b: {  	[tilespmem:s17], [sflag:$0x1] =	stream.indirect.gather [hbm4b:s1+s16], $0x80, s30, s16, $0xb8;
	[tilespmem:$0x1F000] =	vst v63  }
0x2c: {  	_ =	swait.ge [sflag:s20], $0x2800  }
0x2d: {  	[sflag:s20] =	ssyncset.done $0x0  }
0x2e: {  	s31 =	simm.s32 $0x2800;
	[sflag:s20] =	ssyncadd.s32 $0xFFFFD800  }
0x2f: {  	[spmem:s3] =	stream.indirect.scatter.add.f32 [tilespmem:s18], [sflag:$0x3], $0x80, s31, s16, $0xb8;
	[tilespmem:$0x1F000] =	vst v63  }
0x30: {  	_ =	swait.ge [sflag:s12], $0x2800  }
0x31: {  	s28 =	simm.s32 $0x400;
	[sflag:s12] =	ssyncset.done $0x0  }
0x32: {  	s29 =	simm.s32 $0x190;
	s26 =	simm.s32 $0xF0;
	[sflag:s12] =	ssyncadd.s32 $0xFFFFD800  }
.LBB2_2:
0x33: {  	[tilespmem:s18], [sflag:$0x2] =	stream.indirect.gather [hbm4b:s1+s16], $0x80, s26, s16, $0xb8;
	[tilespmem:$0x1F000] =	vst v63  }
0x34: {  	s30 =	smov.u32 s28;
	s26 =	smov.u32 s29  }
0x35: {  	p0 =	sne.s32 s28, $0xF000;
	s28 =	sadd.s32 $0x400, s28;
	_ =	swait.ge [sflag:s19], $0x2800  }
0x36: {  	s30 =	sshra.s32 s30, $0x2;
	[sflag:s19] =	ssyncset.done $0x0  }
0x37: {  	s31 =	sadd.s32 $0x2780, s30;
	[sflag:s19] =	ssyncadd.s32 $0xFFFFD800  }
0x38: {  	[spmem:s3] =	stream.indirect.scatter.add.f32 [tilespmem:s17], [sflag:$0x3], $0x80, s31, s16, $0xb8;
	[tilespmem:$0x1F000] =	vst v63  }
0x39: {  	_ =	swait.ge [sflag:s12], $0x2800  }
0x3a: {  	[sflag:s12] =	ssyncset.done $0x0  }
0x3b: {  	s31 =	sadd.s32 $0xFFFFFFB0, s29;
	[sflag:s12] =	ssyncadd.s32 $0xFFFFD800  }
0x3c: {  	[tilespmem:s17], [sflag:$0x1] =	stream.indirect.gather [hbm4b:s1+s16], $0x80, s31, s16, $0xb8;
	[tilespmem:$0x1F000] =	vst v63  }
0x3d: {  	_ =	swait.ge [sflag:s20], $0x2800  }
0x3e: {  	[sflag:s20] =	ssyncset.done $0x0  }
.Ltmp0:
0x3f: {  	s30 =	sadd.s32 $0x2800, s30;
	[sflag:s20] =	ssyncadd.s32 $0xFFFFD800;
	(pc) =	sbr.rel @p0 .LBB2_2-.Ltmp0, $4  }
0x40: {  	[spmem:s3] =	stream.indirect.scatter.add.f32 [tilespmem:s18], [sflag:$0x3], $0x80, s30, s16, $0xb8;
	[tilespmem:$0x1F000] =	vst v63  }
0x41: {  	_ =	swait.ge [sflag:s12], $0x2800  }
0x42: {  	[sflag:s12] =	ssyncset.done $0x0  }
0x43: {  	s29 =	sadd.s32 $0xA0, s29;
	[sflag:s12] =	ssyncadd.s32 $0xFFFFD800  }
0x44: {  	[tilespmem:s18], [sflag:$0x2] =	stream.indirect.gather [hbm4b:s1+s16], $0x80, s26, s16, $0xb8;
	[tilespmem:$0x1F000] =	vst v63  }
0x45: {  	_ =	swait.ge [sflag:s19], $0x2800  }
0x46: {  	[sflag:s19] =	ssyncset.done $0x0  }
0x47: {  	[sflag:s19] =	ssyncadd.s32 $0xFFFFD800  }
0x48: {  	[spmem:s3] =	stream.indirect.scatter.add.f32 [tilespmem:s17], [sflag:$0x3], $0x80, s21, s16, $0xb8;
	[tilespmem:$0x1F000] =	vst v63  }
0x49: {  	_ =	swait.ge [sflag:s12], $0x2800  }
0x4a: {  	[sflag:s12] =	ssyncset.done $0x0  }
0x4b: {  	[sflag:s12] =	ssyncadd.s32 $0xFFFFD800  }
0x4c: {  	[tilespmem:s17], [sflag:$0x1] =	stream.indirect.gather [hbm4b:s1+s16], $0x80, s22, s16, $0xb8;
	[tilespmem:$0x1F000] =	vst v63  }
0x4d: {  	_ =	swait.ge [sflag:s20], $0x2800  }
0x4e: {  	[sflag:s20] =	ssyncset.done $0x0  }
0x4f: {  	[sflag:s20] =	ssyncadd.s32 $0xFFFFD800  }
0x50: {  	[spmem:s3] =	stream.indirect.scatter.add.f32 [tilespmem:s18], [sflag:$0x3], $0x80, s23, s16, $0xb8;
	[tilespmem:$0x1F000] =	vst v63  }
0x51: {  	_ =	swait.ge [sflag:s12], $0x2800  }
0x52: {  	[sflag:s12] =	ssyncset.done $0x0  }
0x53: {  	[sflag:s12] =	ssyncadd.s32 $0xFFFFD800  }
0x54: {  	_ =	swait.ge [sflag:s19], $0x2800  }
0x55: {  	[sflag:s19] =	ssyncset.done $0x0  }
0x56: {  	[sflag:s19] =	ssyncadd.s32 $0xFFFFD800  }
0x57: {  	[spmem:s3] =	stream.indirect.scatter.add.f32 [tilespmem:s17], [sflag:$0x3], $0x80, s24, s16, $0xb8;
	[tilespmem:$0x1F000] =	vst v63  }
0x58: {  	_ =	swait.ge [sflag:s12], $0x2800  }
0x59: {  	s25 =	sadd.s32 $0x1, s25;
	[sflag:s12] =	ssyncset.done $0x0  }
0x5a: {  	p0 =	sne.s32 s25, s9;
	[sflag:s12] =	ssyncadd.s32 $0xFFFFD800  }
.Ltmp1:
0x5b: {  	[bflag:$0x0] =	sbarrier.arrive $0xFFFF;
	(pc) =	sbr.rel @p0 .LBB2_1-.Ltmp1, $4  }
0x5c: {  	[hbm:s8], [sflag:s14] =	dma.local [spmem:s15], $0x2710  }
0x5d: {  	_ =	swait.ge [sflag:s12], $0x2710  }
0x5e: {  	[sflag:s12] =	ssyncset.done $0x0  }
0x5f: {  	[sflag:s12] =	ssyncadd.s32 $0xFFFFD8F0  }
0x60: {  	_ =	sfence.sel $0x180000  }
0x61: {  	[bflag:$0x0] =	sbarrier.arrive $0xFFFF  }
0x62: {  	p0 =	sne.s32 s0, $0x0;
	_ =	strace $0x9000004A  }
0x63: {  	s0 =	sadd.s32 @!p0 $0x100000, s2;
	[bflag:$0x2] =	sbarrier.arrive $0xFFFF  }
0x64: {  	[sflag:s0] =	ssyncadd.tile.s32 @!p0 $0x1;
	_ =	shalt  }
.Lfunc_end2:
_tile_overlayer_lowered:
.L_overlay_start_2:
0x65: {  	(tag) =	ssettag $0x2  }
0x66: {  	s0 =	rddreg [dreg:$0x0];
	s2 =	stileid.u32  }
0x67: {  	s1 =	rddreg [dreg:$0x1];
	p0 =	sne.s32 s2, $0x0  }
0x68: {  	s3 =	rddreg [dreg:$0x2];
	[bflag:$0x3] =	sbarrier.arrive $0xFFFF;
	s2 =	simm.s32 @!p0 $0x1C03  }
0x69: {  	[timem:s3], [sflag:s2] =	dma.local @!p0 [hbm:s0], s1  }
0x6a: {  	s0 =	simm.s32 @!p0 $0x3  }
0x6b: {  	_ =	swait.ge @!p0 [sflag:s0], s1  }
0x6c: {  	s1 =	ssub.s32 @!p0 $0x0, s1;
	[sflag:s0] =	ssyncset.done @!p0 $0x0  }
0x6d: {  	[sflag:s0] =	ssyncadd.s32 @!p0 s1  }
0x6e: {  	[bflag:$0x3] =	sbarrier.arrive $0xFFFF  }
0x6f: {  	_ =	shalt  }

// kernel: _run.16.cloned.1.call-start
scs
__scs_entry_jumppad:
0x0: {  	(pc) =	sbr.rel $0x88, $3  }
0x1: {  	(tag) =	ssettag $0x0;
	lr =	simm.s32 $0x1  }
0x2: {  	[smem:$0x3F99] =	sst lr;
	_ =	strace $0xD0000000  }
0x3: {  	_ = 	snop  }
0x4: {  	_ = 	snop  }
0x5: {  	_ = 	snop  }
0x6: {  	_ = 	snop  }
0x7: {  	_ = 	snop  }
__scs_overlays_trampoline_lowered:
0x8: {  	[smem:$0x3FA8] =	sst s0  }
0x9: {  	[smem:$0x3FA9] =	sst s1  }
0xa: {  	[smem:$0x3FAA] =	sst s2  }
0xb: {  	[smem:$0x3FAB] =	sst s3  }
0xc: {  	[smem:$0x3FAC] =	sst s4  }
0xd: {  	[smem:$0x3FAD] =	sst s5  }
0xe: {  	[smem:$0x3FAE] =	sst s6  }
0xf: {  	[smem:$0x3FAF] =	sst s7  }
0x10: {  	[smem:$0x3FB0] =	sst s8  }
0x11: {  	[smem:$0x3FB1] =	sst s9;
	s0 =	simm.s32 @!p0 $0x0  }
0x12: {  	s1 =	sld [smem:$0x3F97];
	s0 =	simm.s32 @p0 $0x1  }
0x13: {  	[smem:$0x3FB2] =	sst s0;
	s0 =	simm.s32 @!p1 $0x0  }
0x14: {  	s2 =	sld [smem:$0x3F96];
	s0 =	simm.s32 @p1 $0x1  }
0x15: {  	[smem:$0x3FB3] =	sst s0;
	s0 =	simm.s32 @!p2 $0x0  }
0x16: {  	s3 =	sld [smem:$0x3FDB];
	s0 =	simm.s32 @p2 $0x1  }
0x17: {  	s4 =	simm.s32 $0x1BF5;
	[smem:$0x3FB5] =	sst s0  }
0x18: {  	s0 =	sld [smem:$0x3F98];
	_ =	swait.ge [sflag:s4], $0x0  }
0x19: {  	s7 =	sld [smem:$0x3F99]  }
0x1a: {  	s8 =	sadd.s32 $0xFFFFE003, lr  }
0x1b: {  	s9 =	sadd.s32 $0xFFFFFEF7, lr;
	s5 =	simm.s32 $0xFFFFFFFF;
	p2 =	slt.u32 s8, $0xFFFFF086  }
0x1c: {  	p1 =	slt.u32 s9, $0xF7A;
	s5 =	simm.s32 @!p2 $0x0  }
0x1d: {  	s5 =	simm.s32 @p1 $0x1;
	p0 =	seq.s32 s7, s2  }
0x1e: {  	s7 =	smul.u32 @!p0 $0xF7A, s2;
	p2 =	seq.s32 @!p0 s5, $0x0  }
0x1f: {  	s9 =	smul.u32 $0xF7A, s1;
	s8 =	simm.s32 @!p0 $0x1BF5;
	p2 =	por !p2, p0  }
0x20: {  	[sflag:s8] =	ssyncset.s32 @!p0 $0xFFFFF086;
	s6 =	sadd.s32 @!p0 s3, s7;
	s7 =	simm.s32 @!p0 $0x108  }
0x21: {  	s3 =	sadd.s32 s3, s9;
	s6 =	sadd.s32 @!p0 $0x88, s6;
	s7 =	simm.s32 @p2 $0x1082  }
0x22: {  	[simem:s7], [sflag:s8] =	dma.local @!p0 [hbm:s6], $0xF7A  }
0x23: {  	s9 =	sor.u32 $0xD0000000, s2;
	s6 =	simm.s32 $0x108;
	_ =	swait.ge @!p0 [sflag:s8], $0x0  }
0x24: {  	s3 =	sadd.s32 $0x88, s3;
	s6 =	simm.s32 @!p1 $0x1082;
	[sflag:s4] =	ssyncset.s32 $0xFFFFF086  }
0x25: {  	[simem:s6], [sflag:s4] =	dma.local [hbm:s3], $0xF7A  }
0x26: {  	[smem:$0x3F99] =	sst s1;
	(tag) =	ssettag s2;
	_ =	strace s9  }
0x27: {  	s1 =	sld [smem:$0x3FA9]  }
0x28: {  	s2 =	sld [smem:$0x3FAA]  }
0x29: {  	s4 =	sld [smem:$0x3FAC]  }
0x2a: {  	p0 =	seq.s32 s5, $0x0;
	s5 =	sld [smem:$0x3FAD]  }
0x2b: {  	s6 =	sld [smem:$0x3FAE]  }
0x2c: {  	s7 =	sld [smem:$0x3FAF]  }
0x2d: {  	s3 =	simm.s32 $0x108;
	s8 =	sld [smem:$0x3FB0]  }
0x2e: {  	s3 =	simm.s32 @!p0 $0x1082;
	s9 =	sld [smem:$0x3FB1]  }
0x2f: {  	lr =	sadd.s32 s0, s3;
	s0 =	sld [smem:$0x3FA8]  }
0x30: {  	s3 =	sld [smem:$0x3FAB]  }
0x31: {  	[smem:$0x3FB4] =	sst s10  }
0x32: {  	s10 =	sld [smem:$0x3FB2];
	_ =	sdelay $0x3  }
0x33: {  	p0 =	seq.s32 s10, $0x1;
	s10 =	sld [smem:$0x3FB4];
	_ =	sdelay $0x3  }
0x34: {  	[smem:$0x3FB4] =	sst s10  }
0x35: {  	s10 =	sld [smem:$0x3FB3];
	_ =	sdelay $0x3  }
0x36: {  	p1 =	seq.s32 s10, $0x1;
	s10 =	sld [smem:$0x3FB4];
	_ =	sdelay $0x3  }
0x37: {  	[smem:$0x3FB4] =	sst s10  }
0x38: {  	s10 =	sld [smem:$0x3FB5]  }
0x39: {  	_ = 	snop;
	(pc) =	sbr.ind lr, $3  }
0x3a: {  	_ = 	snop  }
0x3b: {  	_ = 	snop  }
0x3c: {  	p2 =	seq.s32 s10, $0x1;
	s10 =	sld [smem:$0x3FB4]  }
0x3d: {  	_ =	shalt  }
0x3e: {  	_ =	shalt  }
0x3f: {  	_ =	shalt  }
0x40: {  	_ =	shalt  }
0x41: {  	_ =	shalt  }
0x42: {  	_ =	shalt  }
0x43: {  	_ =	shalt  }
0x44: {  	_ =	shalt  }
0x45: {  	_ =	shalt  }
0x46: {  	_ =	shalt  }
0x47: {  	_ =	shalt  }
0x48: {  	_ =	shalt  }
0x49: {  	_ =	shalt  }
0x4a: {  	_ =	shalt  }
0x4b: {  	_ =	shalt  }
0x4c: {  	_ =	shalt  }
0x4d: {  	_ =	shalt  }
0x4e: {  	_ =	shalt  }
0x4f: {  	_ =	shalt  }
0x50: {  	_ =	shalt  }
0x51: {  	_ =	shalt  }
0x52: {  	_ =	shalt  }
0x53: {  	_ =	shalt  }
0x54: {  	_ =	shalt  }
0x55: {  	_ =	shalt  }
0x56: {  	_ =	shalt  }
0x57: {  	_ =	shalt  }
0x58: {  	_ =	shalt  }
0x59: {  	_ =	shalt  }
0x5a: {  	_ =	shalt  }
0x5b: {  	_ =	shalt  }
0x5c: {  	_ =	shalt  }
0x5d: {  	_ =	shalt  }
0x5e: {  	_ =	shalt  }
0x5f: {  	_ =	shalt  }
0x60: {  	_ =	shalt  }
0x61: {  	_ =	shalt  }
0x62: {  	_ =	shalt  }
0x63: {  	_ =	shalt  }
0x64: {  	_ =	shalt  }
0x65: {  	_ =	shalt  }
0x66: {  	_ =	shalt  }
0x67: {  	_ =	shalt  }
0x68: {  	_ =	shalt  }
0x69: {  	_ =	shalt  }
0x6a: {  	_ =	shalt  }
0x6b: {  	_ =	shalt  }
0x6c: {  	_ =	shalt  }
0x6d: {  	_ =	shalt  }
0x6e: {  	_ =	shalt  }
0x6f: {  	_ =	shalt  }
0x70: {  	_ =	shalt  }
0x71: {  	_ =	shalt  }
0x72: {  	_ =	shalt  }
0x73: {  	_ =	shalt  }
0x74: {  	_ =	shalt  }
0x75: {  	_ =	shalt  }
0x76: {  	_ =	shalt  }
0x77: {  	_ =	shalt  }
0x78: {  	_ =	shalt  }
0x79: {  	_ =	shalt  }
0x7a: {  	_ =	shalt  }
0x7b: {  	_ =	shalt  }
0x7c: {  	_ =	shalt  }
0x7d: {  	_ =	shalt  }
0x7e: {  	_ =	shalt  }
0x7f: {  	_ =	shalt  }
0x80: {  	_ =	shalt  }
0x81: {  	_ =	shalt  }
0x82: {  	_ =	shalt  }
0x83: {  	_ =	shalt  }
0x84: {  	_ =	shalt  }
0x85: {  	_ =	shalt  }
0x86: {  	_ =	shalt  }
0x87: {  	_ =	shalt  }
.Lfunc_end0:
.L_simem_size_0:
called_computation.2_lowered:
.L_overlay_start_0:
0x88: {  	s2 =	sld [smem:$0x3FD9]  }
0x89: {  	s3 =	sld [smem:$0x3FFE];
	_ =	sdelay $0x1  }
0x8a: {  	s1 =	srdreg.scid  }
0x8b: {  	s0 =	sand.u32 $0x1, s1  }
0x8c: {  	s17 =	sshll.u32 s0, $0xA;
	s2 =	sadd.s32 s3, s2  }
0x8d: {  	s2 =	sadd.s32 s2, s17  }
0x8e: {  	[smem:$0x3FC0] =	sst s2  }
0x8f: {  	_ = 	snop  }
0x90: {  	s2 =	sld [smem:$0x3FD0];
	(tm) =	ssettm $0x1  }
0x91: {  	s18 =	sld [smem:$0x3FFB];
	_ =	sdelay $0x3  }
0x92: {  	_ =	strace s18  }
0x93: {  	s3 =	sld [smem:$0x3FFC];
	_ =	sdelay $0x3  }
0x94: {  	_ =	strace s3  }
0x95: {  	s3 =	sld [smem:$0x3FFD];
	_ =	sdelay $0x3  }
0x96: {  	_ =	strace s3  }
0x97: {  	_ =	strace $0x8FFFFFFF  }
0x98: {  	s19 =	sld [smem:$0x3FDB];
	_ =	sdelay $0x1  }
0x99: {  	s4 =	simm.s32 $_scs_section_size  }
0x9a: {  	s5 =	simm.s32 $_size__tile_overlayer_lowered;
	s6 =	simm.s32 $_tile_overlayer_lowered  }
0x9b: {  	s22 =	simm.s32 $0x1BFF;
	s21 =	sshll.u32 s6, $0x1;
	s3 =	sadd.s32 s4, s19  }
0x9c: {  	s7 =	simm.s32 $0x0;
	s20 =	sshll.u32 s5, $0x1;
	s5 =	sadd.s32 s21, s3  }
0x9d: {  	[timem:s7], [sflag:s22] =	dma.local [hbm:s5], s20  }
0x9e: {  	_ =	swait.ge [sflag:s22], s20  }
0x9f: {  	s4 =	ssub.s32 $0x0, s20;
	[sflag:s22] =	ssyncset.done $0x0  }
0xa0: {  	[sflag:s22] =	ssyncadd.s32 s4;
	_ =	sdelay $0x1  }
0xa1: {  	s23 =	simm.s32 $0x1B8B  }
0xa2: {  	_ =	swait.ge [sflag:s23], $0x1  }
0xa3: {  	[sflag:s23] =	ssyncset.done $0x0  }
0xa4: {  	s25 =	simm.s32 $0x1B8E;
	s24 =	sld [smem:$0x3FFE];
	[sflag:s23] =	ssyncadd.s32 $0xFFFFFFFF  }
0xa5: {  	s26 =	simm.s32 $execute0_lowered;
	[smem:$0x3FD2] =	sst s25  }
0xa6: {  	s5 =	sshll.u32 s26, $0x1;
	_ =	strace $0x8000004C;
	[dreg:$0x1] =	wrdreg $0xFFFFFFFF  }
0xa7: {  	s28 =	simm.s32 $_size_execute0_lowered;
	s3 =	sadd.s32 s3, s5;
	[dreg:$0x0] =	wrdreg $0x0  }
0xa8: {  	s5 =	sshll.u32 s28, $0x1;
	[dreg:$0x2] =	wrdreg s3  }
0xa9: {  	[dreg:$0x3] =	wrdreg s5  }
0xaa: {  	[dreg:$0x4] =	wrdreg $0xC0  }
0xab: {  	_ =	task [dreg:s7], $0x5FFFF  }
0xac: {  	[dreg:$0x1] =	wrdreg $0xFFFFFFFF  }
0xad: {  	[dreg:$0x0] =	wrdreg $0x60  }
0xae: {  	[dreg:$0x2] =	wrdreg s2  }
0xaf: {  	[dreg:$0x3] =	wrdreg s24  }
0xb0: {  	[dreg:$0x4] =	wrdreg $0x67800  }
0xb1: {  	[dreg:$0x5] =	wrdreg $0x9  }
0xb2: {  	_ =	task.clear_ibuf [dreg:s7], $0x6FFFF;
	_ =	strace $0x9000004C  }
0xb3: {  	s29 =	simm.s32 $0x9;
	_ =	strace $0x8000004E  }
0xb4: {  	_ =	swait.ge [sflag:s29], $0x1  }
0xb5: {  	[sflag:s29] =	ssyncadd.s32 $0xFFFFFFFF  }
0xb6: {  	_ =	strace $0x9000004E  }
0xb7: {  	_ =	sfence  }
0xb8: {  	s30 =	sld [smem:$0x0];
	_ =	sdelay $0x2  }
0xb9: {  	s31 =	sshll.u32 s1, $0xD;
	s1 =	sshrl.u32 s1, $0x2  }
0xba: {  	s3 =	sand.u32 $0x4000, s31;
	s1 =	sadd.s32 s1, s30  }
0xbb: {  	s0 =	sor.u32 s3, s0;
	s1 =	sshll.u32 s1, $0x11  }
0xbc: {  	s0 =	sor.u32 s1, s0  }
0xbd: {  	s0 =	sadd.s32 $0x8F2B, s0  }
0xbe: {  	[sflag:s0] =	ssyncadd.remote.s32 $0x1  }
0xbf: {  	_ =	sfence.sel $0xFFFF  }
0xc0: {  	[dreg:$0x0] =	wrdreg $0xFFFFFFFF;
	(pc) =	sbr.abs _section_cstart, $3  }
0xc1: {  	[dreg:$0x1] =	wrdreg $0xFFFFFFFF  }
0xc2: {  	_ =	task.clear_ibuf [dreg:s7], $0x2FFFF;
	_ =	strace $0x9FFFFFFF  }
0xc3: {  	(tm) =	ssettm $0x7FFFFFFF  }
tec
execute0_lowered:
.L_overlay_start_1:
0x0: {  	(tag) =	ssettag $0x1  }
0x1: {  	s1 =	rddreg [dreg:$0x0]  }
0x2: {  	s0 =	srdreg.scid;
	s6 =	rddreg [dreg:$0x1]  }
0x3: {  	s3 =	rddreg [dreg:$0x2];
	s12 =	simm.s32 $0x3;
	s13 =	simm.s32 $0x2780  }
0x4: {  	s16 =	simm.s32 $0x50;
	s17 =	simm.s32 $0x1A000;
	s18 =	simm.s32 $0x1C800  }
0x5: {  	s19 =	simm.s32 $0x1;
	s20 =	simm.s32 $0x2;
	s21 =	simm.s32 $0x6480  }
0x6: {  	s22 =	simm.s32 $0x26C0;
	s23 =	simm.s32 $0x6500;
	s5 =	sand.u32 $0x1, s0  }
0x7: {  	s24 =	simm.s32 $0x6580;
	s0 =	stileid.u32;
	s10 =	smul.u32 $0x13C000, s5  }
0x8: {  	s25 =	simm.s32 $0x0;
	s2 =	sshll.u32 s5, $0x4;
	s28 =	smul.u32 $0x13C00, s0  }
0x9: {  	s9 =	sshll.u32 s0, $0x7;
	s29 =	ssub.s32 $0x2, s5;
	s11 =	smul.u32 $0x4E200, s0  }
0xa: {  	s5 =	sadd.s32 $0x3800, s6;
	s14 =	sshll.u32 s0, $0x6;
	s7 =	sor.u32 s0, s2  }
0xb: {  	s2 =	rddreg [dreg:$0x3];
	s9 =	sand.u32 $0x380, s9;
	s30 =	sshrl.u32 s29, $0x1  }
0xc: {  	s14 =	sor.u32 $0x1C03, s14;
	s4 =	sshrl.u32 s7, $0x3;
	s7 =	sshll.u32 s7, $0xB  }
0xd: {  	s31 =	sshrl.u32 s11, $0x2;
	s11 =	simm.s32 $0x400;
	s8 =	smul.u32 $0x13C00, s4  }
0xe: {  	s4 =	simm.s32 $0x0;
	s7 =	sadd.s32 s7, s6;
	s15 =	sadd.s32 s31, s3  }
0xf: {  	[smem:$0x7FF] =	sst s4;
	s7 =	sadd.s32 $0xD600, s7;
	s8 =	sor.u32 s9, s8  }
0x10: {  	s15 =	sshrl.u32 s15, $0x3;
	s9 =	sadd.s32 s28, s10;
	s8 =	sshrl.u32 s8, $0x3  }
0x11: {  	_ =	strace $0x8000004D;
	s9 =	sshrl.u32 s9, $0x3;
	s8 =	sadd.s32 s8, s6  }
0x12: {  	s10 =	ssub.s32 s29, s30;
	s9 =	sadd.s32 s9, s6;
	s6 =	sadd.s32 $0x1D600, s8  }
0x13: {  	s8 =	sadd.s32 $0x27400, s9;
	s9 =	smax.u32 s10, $0x1;
	s10 =	simm.s32 $0x80  }
.LBB2_1:
0x14: {  	[tilespmem:s4], [sflag:$0x3] =	stream.strided.gather [hbm4b:s6+s10], $0x2780, s11, s10, $0x38;
	[tilespmem:$0x1F000] =	vst v63  }
0x15: {  	_ =	swait.ge [sflag:s12], $0x2780  }
0x16: {  	[sflag:s12] =	ssyncset.done $0x0  }
0x17: {  	[sflag:s12] =	ssyncadd.s32 $0xFFFFD880  }
0x18: {  	[tilespmem:s13], [sflag:$0x3] =	stream.linear.gather [hbm4b:s7+s4], $0x3E80, $0x38;
	[tilespmem:$0x1F000] =	vst v63  }
0x19: {  	_ =	swait.ge [sflag:s12], $0x3E80  }
0x1a: {  	[sflag:s12] =	ssyncset.done $0x0  }
0x1b: {  	[sflag:s12] =	ssyncadd.s32 $0xFFFFC180  }
0x1c: {  	[spmem:s15], [sflag:s14] =	dma.local [hbm:s5], $0x2710  }
0x1d: {  	_ =	swait.ge [sflag:s12], $0x2710  }
0x1e: {  	[sflag:s12] =	ssyncset.done $0x0  }
0x1f: {  	[sflag:s12] =	ssyncadd.s32 $0xFFFFD8F0  }
0x20: {  	[bflag:$0x0] =	sbarrier.arrive $0xFFFF  }
0x21: {  	[tilespmem:s17], [sflag:$0x1] =	stream.indirect.gather [hbm4b:s1+s16], $0x80, s4, s16, $0xb8;
	[tilespmem:$0x1F000] =	vst v63  }
0x22: {  	_ = 	snop  }
0x23: {  	[tilespmem:s18], [sflag:$0x2] =	stream.indirect.gather [hbm4b:s1+s16], $0x80, s16, s16, $0xb8;
	[tilespmem:$0x1F000] =	vst v63  }
0x24: {  	_ =	swait.ge [sflag:s19], $0x2800  }
0x25: {  	[sflag:s19] =	ssyncset.done $0x0  }
0x26: {  	s26 =	simm.s32 $0x2780;
	[sflag:s19] =	ssyncadd.s32 $0xFFFFD800  }
0x27: {  	[spmem:s3] =	stream.indirect.scatter.add.f32 [tilespmem:s17], [sflag:$0x3], $0x80, s26, s16, $0xb8;
	[tilespmem:$0x1F000] =	vst v63  }
0x28: {  	_ =	swait.ge [sflag:s12], $0x2800  }
0x29: {  	[sflag:s12] =	ssyncset.done $0x0  }
0x2a: {  	s30 =	simm.s32 $0xA0;
	[sflag:s12] =	ssyncadd.s32 $0xFFFFD800  }
0x2b: {  	[tilespmem:s17], [sflag:$0x1] =	stream.indirect.gather [hbm4b:s1+s16], $0x80, s30, s16, $0xb8;
	[tilespmem:$0x1F000] =	vst v63  }
0x2c: {  	_ =	swait.ge [sflag:s20], $0x2800  }
0x2d: {  	[sflag:s20] =	ssyncset.done $0x0  }
0x2e: {  	s31 =	simm.s32 $0x2800;
	[sflag:s20] =	ssyncadd.s32 $0xFFFFD800  }
0x2f: {  	[spmem:s3] =	stream.indirect.scatter.add.f32 [tilespmem:s18], [sflag:$0x3], $0x80, s31, s16, $0xb8;
	[tilespmem:$0x1F000] =	vst v63  }
0x30: {  	_ =	swait.ge [sflag:s12], $0x2800  }
0x31: {  	s28 =	simm.s32 $0x400;
	[sflag:s12] =	ssyncset.done $0x0  }
0x32: {  	s29 =	simm.s32 $0x190;
	s26 =	simm.s32 $0xF0;
	[sflag:s12] =	ssyncadd.s32 $0xFFFFD800  }
.LBB2_2:
0x33: {  	[tilespmem:s18], [sflag:$0x2] =	stream.indirect.gather [hbm4b:s1+s16], $0x80, s26, s16, $0xb8;
	[tilespmem:$0x1F000] =	vst v63  }
0x34: {  	s30 =	smov.u32 s28;
	s26 =	smov.u32 s29  }
0x35: {  	p0 =	sne.s32 s28, $0xF000;
	s28 =	sadd.s32 $0x400, s28;
	_ =	swait.ge [sflag:s19], $0x2800  }
0x36: {  	s30 =	sshra.s32 s30, $0x2;
	[sflag:s19] =	ssyncset.done $0x0  }
0x37: {  	s31 =	sadd.s32 $0x2780, s30;
	[sflag:s19] =	ssyncadd.s32 $0xFFFFD800  }
0x38: {  	[spmem:s3] =	stream.indirect.scatter.add.f32 [tilespmem:s17], [sflag:$0x3], $0x80, s31, s16, $0xb8;
	[tilespmem:$0x1F000] =	vst v63  }
0x39: {  	_ =	swait.ge [sflag:s12], $0x2800  }
0x3a: {  	[sflag:s12] =	ssyncset.done $0x0  }
0x3b: {  	s31 =	sadd.s32 $0xFFFFFFB0, s29;
	[sflag:s12] =	ssyncadd.s32 $0xFFFFD800  }
0x3c: {  	[tilespmem:s17], [sflag:$0x1] =	stream.indirect.gather [hbm4b:s1+s16], $0x80, s31, s16, $0xb8;
	[tilespmem:$0x1F000] =	vst v63  }
0x3d: {  	_ =	swait.ge [sflag:s20], $0x2800  }
0x3e: {  	[sflag:s20] =	ssyncset.done $0x0  }
.Ltmp0:
0x3f: {  	s30 =	sadd.s32 $0x2800, s30;
	[sflag:s20] =	ssyncadd.s32 $0xFFFFD800;
	(pc) =	sbr.rel @p0 .LBB2_2-.Ltmp0, $4  }
0x40: {  	[spmem:s3] =	stream.indirect.scatter.add.f32 [tilespmem:s18], [sflag:$0x3], $0x80, s30, s16, $0xb8;
	[tilespmem:$0x1F000] =	vst v63  }
0x41: {  	_ =	swait.ge [sflag:s12], $0x2800  }
0x42: {  	[sflag:s12] =	ssyncset.done $0x0  }
0x43: {  	s29 =	sadd.s32 $0xA0, s29;
	[sflag:s12] =	ssyncadd.s32 $0xFFFFD800  }
0x44: {  	[tilespmem:s18], [sflag:$0x2] =	stream.indirect.gather [hbm4b:s1+s16], $0x80, s26, s16, $0xb8;
	[tilespmem:$0x1F000] =	vst v63  }
0x45: {  	_ =	swait.ge [sflag:s19], $0x2800  }
0x46: {  	[sflag:s19] =	ssyncset.done $0x0  }
0x47: {  	[sflag:s19] =	ssyncadd.s32 $0xFFFFD800  }
0x48: {  	[spmem:s3] =	stream.indirect.scatter.add.f32 [tilespmem:s17], [sflag:$0x3], $0x80, s21, s16, $0xb8;
	[tilespmem:$0x1F000] =	vst v63  }
0x49: {  	_ =	swait.ge [sflag:s12], $0x2800  }
0x4a: {  	[sflag:s12] =	ssyncset.done $0x0  }
0x4b: {  	[sflag:s12] =	ssyncadd.s32 $0xFFFFD800  }
0x4c: {  	[tilespmem:s17], [sflag:$0x1] =	stream.indirect.gather [hbm4b:s1+s16], $0x80, s22, s16, $0xb8;
	[tilespmem:$0x1F000] =	vst v63  }
0x4d: {  	_ =	swait.ge [sflag:s20], $0x2800  }
0x4e: {  	[sflag:s20] =	ssyncset.done $0x0  }
0x4f: {  	[sflag:s20] =	ssyncadd.s32 $0xFFFFD800  }
0x50: {  	[spmem:s3] =	stream.indirect.scatter.add.f32 [tilespmem:s18], [sflag:$0x3], $0x80, s23, s16, $0xb8;
	[tilespmem:$0x1F000] =	vst v63  }
0x51: {  	_ =	swait.ge [sflag:s12], $0x2800  }
0x52: {  	[sflag:s12] =	ssyncset.done $0x0  }
0x53: {  	[sflag:s12] =	ssyncadd.s32 $0xFFFFD800  }
0x54: {  	_ =	swait.ge [sflag:s19], $0x2800  }
0x55: {  	[sflag:s19] =	ssyncset.done $0x0  }
0x56: {  	[sflag:s19] =	ssyncadd.s32 $0xFFFFD800  }
0x57: {  	[spmem:s3] =	stream.indirect.scatter.add.f32 [tilespmem:s17], [sflag:$0x3], $0x80, s24, s16, $0xb8;
	[tilespmem:$0x1F000] =	vst v63  }
0x58: {  	_ =	swait.ge [sflag:s12], $0x2800  }
0x59: {  	s25 =	sadd.s32 $0x1, s25;
	[sflag:s12] =	ssyncset.done $0x0  }
0x5a: {  	p0 =	sne.s32 s25, s9;
	[sflag:s12] =	ssyncadd.s32 $0xFFFFD800  }
.Ltmp1:
0x5b: {  	[bflag:$0x0] =	sbarrier.arrive $0xFFFF;
	(pc) =	sbr.rel @p0 .LBB2_1-.Ltmp1, $4  }
0x5c: {  	[hbm:s8], [sflag:s14] =	dma.local [spmem:s15], $0x2710  }
0x5d: {  	_ =	swait.ge [sflag:s12], $0x2710  }
0x5e: {  	[sflag:s12] =	ssyncset.done $0x0  }
0x5f: {  	[sflag:s12] =	ssyncadd.s32 $0xFFFFD8F0  }
0x60: {  	_ =	sfence.sel $0x180000  }
0x61: {  	[bflag:$0x0] =	sbarrier.arrive $0xFFFF  }
0x62: {  	p0 =	sne.s32 s0, $0x0;
	_ =	strace $0x9000004D  }
0x63: {  	s0 =	sadd.s32 @!p0 $0x100000, s2;
	[bflag:$0x2] =	sbarrier.arrive $0xFFFF  }
0x64: {  	[sflag:s0] =	ssyncadd.tile.s32 @!p0 $0x1;
	_ =	shalt  }
.Lfunc_end2:
_tile_overlayer_lowered:
.L_overlay_start_2:
0x65: {  	(tag) =	ssettag $0x2  }
0x66: {  	s0 =	rddreg [dreg:$0x0];
	s2 =	stileid.u32  }
0x67: {  	s1 =	rddreg [dreg:$0x1];
	p0 =	sne.s32 s2, $0x0  }
0x68: {  	s3 =	rddreg [dreg:$0x2];
	[bflag:$0x3] =	sbarrier.arrive $0xFFFF;
	s2 =	simm.s32 @!p0 $0x1C03  }
0x69: {  	[timem:s3], [sflag:s2] =	dma.local @!p0 [hbm:s0], s1  }
0x6a: {  	s0 =	simm.s32 @!p0 $0x3  }
0x6b: {  	_ =	swait.ge @!p0 [sflag:s0], s1  }
0x6c: {  	s1 =	ssub.s32 @!p0 $0x0, s1;
	[sflag:s0] =	ssyncset.done @!p0 $0x0  }
0x6d: {  	[sflag:s0] =	ssyncadd.s32 @!p0 s1  }
0x6e: {  	[bflag:$0x3] =	sbarrier.arrive $0xFFFF  }
0x6f: {  	_ =	shalt  }

// kernel: _run.19.cloned.1.call-start
scs
__scs_entry_jumppad:
0x0: {  	(pc) =	sbr.rel $0x88, $3  }
0x1: {  	(tag) =	ssettag $0x0;
	lr =	simm.s32 $0x1  }
0x2: {  	[smem:$0x3F99] =	sst lr;
	_ =	strace $0xD0000000  }
0x3: {  	_ = 	snop  }
0x4: {  	_ = 	snop  }
0x5: {  	_ = 	snop  }
0x6: {  	_ = 	snop  }
0x7: {  	_ = 	snop  }
__scs_overlays_trampoline_lowered:
0x8: {  	[smem:$0x3FA8] =	sst s0  }
0x9: {  	[smem:$0x3FA9] =	sst s1  }
0xa: {  	[smem:$0x3FAA] =	sst s2  }
0xb: {  	[smem:$0x3FAB] =	sst s3  }
0xc: {  	[smem:$0x3FAC] =	sst s4  }
0xd: {  	[smem:$0x3FAD] =	sst s5  }
0xe: {  	[smem:$0x3FAE] =	sst s6  }
0xf: {  	[smem:$0x3FAF] =	sst s7  }
0x10: {  	[smem:$0x3FB0] =	sst s8  }
0x11: {  	[smem:$0x3FB1] =	sst s9;
	s0 =	simm.s32 @!p0 $0x0  }
0x12: {  	s1 =	sld [smem:$0x3F97];
	s0 =	simm.s32 @p0 $0x1  }
0x13: {  	[smem:$0x3FB2] =	sst s0;
	s0 =	simm.s32 @!p1 $0x0  }
0x14: {  	s2 =	sld [smem:$0x3F96];
	s0 =	simm.s32 @p1 $0x1  }
0x15: {  	[smem:$0x3FB3] =	sst s0;
	s0 =	simm.s32 @!p2 $0x0  }
0x16: {  	s3 =	sld [smem:$0x3FDB];
	s0 =	simm.s32 @p2 $0x1  }
0x17: {  	s4 =	simm.s32 $0x1BF5;
	[smem:$0x3FB5] =	sst s0  }
0x18: {  	s0 =	sld [smem:$0x3F98];
	_ =	swait.ge [sflag:s4], $0x0  }
0x19: {  	s7 =	sld [smem:$0x3F99]  }
0x1a: {  	s8 =	sadd.s32 $0xFFFFE003, lr  }
0x1b: {  	s9 =	sadd.s32 $0xFFFFFEF7, lr;
	s5 =	simm.s32 $0xFFFFFFFF;
	p2 =	slt.u32 s8, $0xFFFFF086  }
0x1c: {  	p1 =	slt.u32 s9, $0xF7A;
	s5 =	simm.s32 @!p2 $0x0  }
0x1d: {  	s5 =	simm.s32 @p1 $0x1;
	p0 =	seq.s32 s7, s2  }
0x1e: {  	s7 =	smul.u32 @!p0 $0xF7A, s2;
	p2 =	seq.s32 @!p0 s5, $0x0  }
0x1f: {  	s9 =	smul.u32 $0xF7A, s1;
	s8 =	simm.s32 @!p0 $0x1BF5;
	p2 =	por !p2, p0  }
0x20: {  	[sflag:s8] =	ssyncset.s32 @!p0 $0xFFFFF086;
	s6 =	sadd.s32 @!p0 s3, s7;
	s7 =	simm.s32 @!p0 $0x108  }
0x21: {  	s3 =	sadd.s32 s3, s9;
	s6 =	sadd.s32 @!p0 $0x88, s6;
	s7 =	simm.s32 @p2 $0x1082  }
0x22: {  	[simem:s7], [sflag:s8] =	dma.local @!p0 [hbm:s6], $0xF7A  }
0x23: {  	s9 =	sor.u32 $0xD0000000, s2;
	s6 =	simm.s32 $0x108;
	_ =	swait.ge @!p0 [sflag:s8], $0x0  }
0x24: {  	s3 =	sadd.s32 $0x88, s3;
	s6 =	simm.s32 @!p1 $0x1082;
	[sflag:s4] =	ssyncset.s32 $0xFFFFF086  }
0x25: {  	[simem:s6], [sflag:s4] =	dma.local [hbm:s3], $0xF7A  }
0x26: {  	[smem:$0x3F99] =	sst s1;
	(tag) =	ssettag s2;
	_ =	strace s9  }
0x27: {  	s1 =	sld [smem:$0x3FA9]  }
0x28: {  	s2 =	sld [smem:$0x3FAA]  }
0x29: {  	s4 =	sld [smem:$0x3FAC]  }
0x2a: {  	p0 =	seq.s32 s5, $0x0;
	s5 =	sld [smem:$0x3FAD]  }
0x2b: {  	s6 =	sld [smem:$0x3FAE]  }
0x2c: {  	s7 =	sld [smem:$0x3FAF]  }
0x2d: {  	s3 =	simm.s32 $0x108;
	s8 =	sld [smem:$0x3FB0]  }
0x2e: {  	s3 =	simm.s32 @!p0 $0x1082;
	s9 =	sld [smem:$0x3FB1]  }
0x2f: {  	lr =	sadd.s32 s0, s3;
	s0 =	sld [smem:$0x3FA8]  }
0x30: {  	s3 =	sld [smem:$0x3FAB]  }
0x31: {  	[smem:$0x3FB4] =	sst s10  }
0x32: {  	s10 =	sld [smem:$0x3FB2];
	_ =	sdelay $0x3  }
0x33: {  	p0 =	seq.s32 s10, $0x1;
	s10 =	sld [smem:$0x3FB4];
	_ =	sdelay $0x3  }
0x34: {  	[smem:$0x3FB4] =	sst s10  }
0x35: {  	s10 =	sld [smem:$0x3FB3];
	_ =	sdelay $0x3  }
0x36: {  	p1 =	seq.s32 s10, $0x1;
	s10 =	sld [smem:$0x3FB4];
	_ =	sdelay $0x3  }
0x37: {  	[smem:$0x3FB4] =	sst s10  }
0x38: {  	s10 =	sld [smem:$0x3FB5]  }
0x39: {  	_ = 	snop;
	(pc) =	sbr.ind lr, $3  }
0x3a: {  	_ = 	snop  }
0x3b: {  	_ = 	snop  }
0x3c: {  	p2 =	seq.s32 s10, $0x1;
	s10 =	sld [smem:$0x3FB4]  }
0x3d: {  	_ =	shalt  }
0x3e: {  	_ =	shalt  }
0x3f: {  	_ =	shalt  }
0x40: {  	_ =	shalt  }
0x41: {  	_ =	shalt  }
0x42: {  	_ =	shalt  }
0x43: {  	_ =	shalt  }
0x44: {  	_ =	shalt  }
0x45: {  	_ =	shalt  }
0x46: {  	_ =	shalt  }
0x47: {  	_ =	shalt  }
0x48: {  	_ =	shalt  }
0x49: {  	_ =	shalt  }
0x4a: {  	_ =	shalt  }
0x4b: {  	_ =	shalt  }
0x4c: {  	_ =	shalt  }
0x4d: {  	_ =	shalt  }
0x4e: {  	_ =	shalt  }
0x4f: {  	_ =	shalt  }
0x50: {  	_ =	shalt  }
0x51: {  	_ =	shalt  }
0x52: {  	_ =	shalt  }
0x53: {  	_ =	shalt  }
0x54: {  	_ =	shalt  }
0x55: {  	_ =	shalt  }
0x56: {  	_ =	shalt  }
0x57: {  	_ =	shalt  }
0x58: {  	_ =	shalt  }
0x59: {  	_ =	shalt  }
0x5a: {  	_ =	shalt  }
0x5b: {  	_ =	shalt  }
0x5c: {  	_ =	shalt  }
0x5d: {  	_ =	shalt  }
0x5e: {  	_ =	shalt  }
0x5f: {  	_ =	shalt  }
0x60: {  	_ =	shalt  }
0x61: {  	_ =	shalt  }
0x62: {  	_ =	shalt  }
0x63: {  	_ =	shalt  }
0x64: {  	_ =	shalt  }
0x65: {  	_ =	shalt  }
0x66: {  	_ =	shalt  }
0x67: {  	_ =	shalt  }
0x68: {  	_ =	shalt  }
0x69: {  	_ =	shalt  }
0x6a: {  	_ =	shalt  }
0x6b: {  	_ =	shalt  }
0x6c: {  	_ =	shalt  }
0x6d: {  	_ =	shalt  }
0x6e: {  	_ =	shalt  }
0x6f: {  	_ =	shalt  }
0x70: {  	_ =	shalt  }
0x71: {  	_ =	shalt  }
0x72: {  	_ =	shalt  }
0x73: {  	_ =	shalt  }
0x74: {  	_ =	shalt  }
0x75: {  	_ =	shalt  }
0x76: {  	_ =	shalt  }
0x77: {  	_ =	shalt  }
0x78: {  	_ =	shalt  }
0x79: {  	_ =	shalt  }
0x7a: {  	_ =	shalt  }
0x7b: {  	_ =	shalt  }
0x7c: {  	_ =	shalt  }
0x7d: {  	_ =	shalt  }
0x7e: {  	_ =	shalt  }
0x7f: {  	_ =	shalt  }
0x80: {  	_ =	shalt  }
0x81: {  	_ =	shalt  }
0x82: {  	_ =	shalt  }
0x83: {  	_ =	shalt  }
0x84: {  	_ =	shalt  }
0x85: {  	_ =	shalt  }
0x86: {  	_ =	shalt  }
0x87: {  	_ =	shalt  }
.Lfunc_end0:
.L_simem_size_0:
called_computation.3_lowered:
.L_overlay_start_0:
0x88: {  	s2 =	sld [smem:$0x3FD9]  }
0x89: {  	s3 =	sld [smem:$0x3FFE];
	_ =	sdelay $0x1  }
0x8a: {  	s1 =	srdreg.scid  }
0x8b: {  	s0 =	sand.u32 $0x1, s1  }
0x8c: {  	s17 =	sshll.u32 s0, $0xA;
	s2 =	sadd.s32 s3, s2  }
0x8d: {  	s2 =	sadd.s32 s2, s17  }
0x8e: {  	[smem:$0x3FC0] =	sst s2  }
0x8f: {  	_ = 	snop  }
0x90: {  	s2 =	sld [smem:$0x3FD0];
	(tm) =	ssettm $0x1  }
0x91: {  	s18 =	sld [smem:$0x3FFB];
	_ =	sdelay $0x3  }
0x92: {  	_ =	strace s18  }
0x93: {  	s3 =	sld [smem:$0x3FFC];
	_ =	sdelay $0x3  }
0x94: {  	_ =	strace s3  }
0x95: {  	s3 =	sld [smem:$0x3FFD];
	_ =	sdelay $0x3  }
0x96: {  	_ =	strace s3  }
0x97: {  	_ =	strace $0x8FFFFFFF  }
0x98: {  	s19 =	sld [smem:$0x3FDB];
	_ =	sdelay $0x1  }
0x99: {  	s4 =	simm.s32 $_scs_section_size  }
0x9a: {  	s5 =	simm.s32 $_size__tile_overlayer_lowered;
	s6 =	simm.s32 $_tile_overlayer_lowered  }
0x9b: {  	s22 =	simm.s32 $0x1BFF;
	s21 =	sshll.u32 s6, $0x1;
	s3 =	sadd.s32 s4, s19  }
0x9c: {  	s7 =	simm.s32 $0x0;
	s20 =	sshll.u32 s5, $0x1;
	s5 =	sadd.s32 s21, s3  }
0x9d: {  	[timem:s7], [sflag:s22] =	dma.local [hbm:s5], s20  }
0x9e: {  	_ =	swait.ge [sflag:s22], s20  }
0x9f: {  	s4 =	ssub.s32 $0x0, s20;
	[sflag:s22] =	ssyncset.done $0x0  }
0xa0: {  	[sflag:s22] =	ssyncadd.s32 s4;
	_ =	sdelay $0x1  }
0xa1: {  	s23 =	simm.s32 $0x1B8B  }
0xa2: {  	_ =	swait.ge [sflag:s23], $0x1  }
0xa3: {  	[sflag:s23] =	ssyncset.done $0x0  }
0xa4: {  	s25 =	simm.s32 $0x1B8E;
	s24 =	sld [smem:$0x3FFE];
	[sflag:s23] =	ssyncadd.s32 $0xFFFFFFFF  }
0xa5: {  	s26 =	simm.s32 $execute0_lowered;
	[smem:$0x3FD2] =	sst s25  }
0xa6: {  	s5 =	sshll.u32 s26, $0x1;
	_ =	strace $0x8000004F;
	[dreg:$0x1] =	wrdreg $0xFFFFFFFF  }
0xa7: {  	s28 =	simm.s32 $_size_execute0_lowered;
	s3 =	sadd.s32 s3, s5;
	[dreg:$0x0] =	wrdreg $0x0  }
0xa8: {  	s5 =	sshll.u32 s28, $0x1;
	[dreg:$0x2] =	wrdreg s3  }
0xa9: {  	[dreg:$0x3] =	wrdreg s5  }
0xaa: {  	[dreg:$0x4] =	wrdreg $0xC0  }
0xab: {  	_ =	task [dreg:s7], $0x5FFFF  }
0xac: {  	[dreg:$0x1] =	wrdreg $0xFFFFFFFF  }
0xad: {  	[dreg:$0x0] =	wrdreg $0x60  }
0xae: {  	[dreg:$0x2] =	wrdreg s2  }
0xaf: {  	[dreg:$0x3] =	wrdreg s24  }
0xb0: {  	[dreg:$0x4] =	wrdreg $0x67800  }
0xb1: {  	[dreg:$0x5] =	wrdreg $0x9  }
0xb2: {  	_ =	task.clear_ibuf [dreg:s7], $0x6FFFF;
	_ =	strace $0x9000004F  }
0xb3: {  	s29 =	simm.s32 $0x9;
	_ =	strace $0x80000051  }
0xb4: {  	_ =	swait.ge [sflag:s29], $0x1  }
0xb5: {  	[sflag:s29] =	ssyncadd.s32 $0xFFFFFFFF  }
0xb6: {  	_ =	strace $0x90000051  }
0xb7: {  	_ =	sfence  }
0xb8: {  	s30 =	sld [smem:$0x0];
	_ =	sdelay $0x2  }
0xb9: {  	s31 =	sshll.u32 s1, $0xD;
	s1 =	sshrl.u32 s1, $0x2  }
0xba: {  	s3 =	sand.u32 $0x4000, s31;
	s1 =	sadd.s32 s1, s30  }
0xbb: {  	s0 =	sor.u32 s3, s0;
	s1 =	sshll.u32 s1, $0x11  }
0xbc: {  	s0 =	sor.u32 s1, s0  }
0xbd: {  	s0 =	sadd.s32 $0x8F2B, s0  }
0xbe: {  	[sflag:s0] =	ssyncadd.remote.s32 $0x1  }
0xbf: {  	_ =	sfence.sel $0xFFFF  }
0xc0: {  	[dreg:$0x0] =	wrdreg $0xFFFFFFFF;
	(pc) =	sbr.abs _section_cstart, $3  }
0xc1: {  	[dreg:$0x1] =	wrdreg $0xFFFFFFFF  }
0xc2: {  	_ =	task.clear_ibuf [dreg:s7], $0x2FFFF;
	_ =	strace $0x9FFFFFFF  }
0xc3: {  	(tm) =	ssettm $0x7FFFFFFF  }
tec
execute0_lowered:
.L_overlay_start_1:
0x0: {  	(tag) =	ssettag $0x1  }
0x1: {  	s1 =	rddreg [dreg:$0x0]  }
0x2: {  	s0 =	srdreg.scid;
	s6 =	rddreg [dreg:$0x1]  }
0x3: {  	s3 =	rddreg [dreg:$0x2];
	s12 =	simm.s32 $0x3;
	s13 =	simm.s32 $0x2780  }
0x4: {  	s16 =	simm.s32 $0x50;
	s17 =	simm.s32 $0x1A000;
	s18 =	simm.s32 $0x1C800  }
0x5: {  	s19 =	simm.s32 $0x1;
	s20 =	simm.s32 $0x2;
	s21 =	simm.s32 $0x6480  }
0x6: {  	s22 =	simm.s32 $0x26C0;
	s23 =	simm.s32 $0x6500;
	s5 =	sand.u32 $0x1, s0  }
0x7: {  	s24 =	simm.s32 $0x6580;
	s0 =	stileid.u32;
	s10 =	smul.u32 $0x13C000, s5  }
0x8: {  	s25 =	simm.s32 $0x0;
	s2 =	sshll.u32 s5, $0x4;
	s28 =	smul.u32 $0x13C00, s0  }
0x9: {  	s9 =	sshll.u32 s0, $0x7;
	s29 =	ssub.s32 $0x2, s5;
	s11 =	smul.u32 $0x4E200, s0  }
0xa: {  	s5 =	sadd.s32 $0x3800, s6;
	s14 =	sshll.u32 s0, $0x6;
	s7 =	sor.u32 s0, s2  }
0xb: {  	s2 =	rddreg [dreg:$0x3];
	s9 =	sand.u32 $0x380, s9;
	s30 =	sshrl.u32 s29, $0x1  }
0xc: {  	s14 =	sor.u32 $0x1C03, s14;
	s4 =	sshrl.u32 s7, $0x3;
	s7 =	sshll.u32 s7, $0xB  }
0xd: {  	s31 =	sshrl.u32 s11, $0x2;
	s11 =	simm.s32 $0x400;
	s8 =	smul.u32 $0x13C00, s4  }
0xe: {  	s4 =	simm.s32 $0x0;
	s7 =	sadd.s32 s7, s6;
	s15 =	sadd.s32 s31, s3  }
0xf: {  	[smem:$0x7FF] =	sst s4;
	s7 =	sadd.s32 $0xD600, s7;
	s8 =	sor.u32 s9, s8  }
0x10: {  	s15 =	sshrl.u32 s15, $0x3;
	s9 =	sadd.s32 s28, s10;
	s8 =	sshrl.u32 s8, $0x3  }
0x11: {  	_ =	strace $0x80000050;
	s9 =	sshrl.u32 s9, $0x3;
	s8 =	sadd.s32 s8, s6  }
0x12: {  	s10 =	ssub.s32 s29, s30;
	s9 =	sadd.s32 s9, s6;
	s6 =	sadd.s32 $0x1D600, s8  }
0x13: {  	s8 =	sadd.s32 $0x27400, s9;
	s9 =	smax.u32 s10, $0x1;
	s10 =	simm.s32 $0x80  }
.LBB2_1:
0x14: {  	[tilespmem:s4], [sflag:$0x3] =	stream.strided.gather [hbm4b:s6+s10], $0x2780, s11, s10, $0x38;
	[tilespmem:$0x1F000] =	vst v63  }
0x15: {  	_ =	swait.ge [sflag:s12], $0x2780  }
0x16: {  	[sflag:s12] =	ssyncset.done $0x0  }
0x17: {  	[sflag:s12] =	ssyncadd.s32 $0xFFFFD880  }
0x18: {  	[tilespmem:s13], [sflag:$0x3] =	stream.linear.gather [hbm4b:s7+s4], $0x3E80, $0x38;
	[tilespmem:$0x1F000] =	vst v63  }
0x19: {  	_ =	swait.ge [sflag:s12], $0x3E80  }
0x1a: {  	[sflag:s12] =	ssyncset.done $0x0  }
0x1b: {  	[sflag:s12] =	ssyncadd.s32 $0xFFFFC180  }
0x1c: {  	[spmem:s15], [sflag:s14] =	dma.local [hbm:s5], $0x2710  }
0x1d: {  	_ =	swait.ge [sflag:s12], $0x2710  }
0x1e: {  	[sflag:s12] =	ssyncset.done $0x0  }
0x1f: {  	[sflag:s12] =	ssyncadd.s32 $0xFFFFD8F0  }
0x20: {  	[bflag:$0x0] =	sbarrier.arrive $0xFFFF  }
0x21: {  	[tilespmem:s17], [sflag:$0x1] =	stream.indirect.gather [hbm4b:s1+s16], $0x80, s4, s16, $0xb8;
	[tilespmem:$0x1F000] =	vst v63  }
0x22: {  	_ = 	snop  }
0x23: {  	[tilespmem:s18], [sflag:$0x2] =	stream.indirect.gather [hbm4b:s1+s16], $0x80, s16, s16, $0xb8;
	[tilespmem:$0x1F000] =	vst v63  }
0x24: {  	_ =	swait.ge [sflag:s19], $0x2800  }
0x25: {  	[sflag:s19] =	ssyncset.done $0x0  }
0x26: {  	s26 =	simm.s32 $0x2780;
	[sflag:s19] =	ssyncadd.s32 $0xFFFFD800  }
0x27: {  	[spmem:s3] =	stream.indirect.scatter.add.f32 [tilespmem:s17], [sflag:$0x3], $0x80, s26, s16, $0xb8;
	[tilespmem:$0x1F000] =	vst v63  }
0x28: {  	_ =	swait.ge [sflag:s12], $0x2800  }
0x29: {  	[sflag:s12] =	ssyncset.done $0x0  }
0x2a: {  	s30 =	simm.s32 $0xA0;
	[sflag:s12] =	ssyncadd.s32 $0xFFFFD800  }
0x2b: {  	[tilespmem:s17], [sflag:$0x1] =	stream.indirect.gather [hbm4b:s1+s16], $0x80, s30, s16, $0xb8;
	[tilespmem:$0x1F000] =	vst v63  }
0x2c: {  	_ =	swait.ge [sflag:s20], $0x2800  }
0x2d: {  	[sflag:s20] =	ssyncset.done $0x0  }
0x2e: {  	s31 =	simm.s32 $0x2800;
	[sflag:s20] =	ssyncadd.s32 $0xFFFFD800  }
0x2f: {  	[spmem:s3] =	stream.indirect.scatter.add.f32 [tilespmem:s18], [sflag:$0x3], $0x80, s31, s16, $0xb8;
	[tilespmem:$0x1F000] =	vst v63  }
0x30: {  	_ =	swait.ge [sflag:s12], $0x2800  }
0x31: {  	s28 =	simm.s32 $0x400;
	[sflag:s12] =	ssyncset.done $0x0  }
0x32: {  	s29 =	simm.s32 $0x190;
	s26 =	simm.s32 $0xF0;
	[sflag:s12] =	ssyncadd.s32 $0xFFFFD800  }
.LBB2_2:
0x33: {  	[tilespmem:s18], [sflag:$0x2] =	stream.indirect.gather [hbm4b:s1+s16], $0x80, s26, s16, $0xb8;
	[tilespmem:$0x1F000] =	vst v63  }
0x34: {  	s30 =	smov.u32 s28;
	s26 =	smov.u32 s29  }
0x35: {  	p0 =	sne.s32 s28, $0xF000;
	s28 =	sadd.s32 $0x400, s28;
	_ =	swait.ge [sflag:s19], $0x2800  }
0x36: {  	s30 =	sshra.s32 s30, $0x2;
	[sflag:s19] =	ssyncset.done $0x0  }
0x37: {  	s31 =	sadd.s32 $0x2780, s30;
	[sflag:s19] =	ssyncadd.s32 $0xFFFFD800  }
0x38: {  	[spmem:s3] =	stream.indirect.scatter.add.f32 [tilespmem:s17], [sflag:$0x3], $0x80, s31, s16, $0xb8;
	[tilespmem:$0x1F000] =	vst v63  }
0x39: {  	_ =	swait.ge [sflag:s12], $0x2800  }
0x3a: {  	[sflag:s12] =	ssyncset.done $0x0  }
0x3b: {  	s31 =	sadd.s32 $0xFFFFFFB0, s29;
	[sflag:s12] =	ssyncadd.s32 $0xFFFFD800  }
0x3c: {  	[tilespmem:s17], [sflag:$0x1] =	stream.indirect.gather [hbm4b:s1+s16], $0x80, s31, s16, $0xb8;
	[tilespmem:$0x1F000] =	vst v63  }
0x3d: {  	_ =	swait.ge [sflag:s20], $0x2800  }
0x3e: {  	[sflag:s20] =	ssyncset.done $0x0  }
.Ltmp0:
0x3f: {  	s30 =	sadd.s32 $0x2800, s30;
	[sflag:s20] =	ssyncadd.s32 $0xFFFFD800;
	(pc) =	sbr.rel @p0 .LBB2_2-.Ltmp0, $4  }
0x40: {  	[spmem:s3] =	stream.indirect.scatter.add.f32 [tilespmem:s18], [sflag:$0x3], $0x80, s30, s16, $0xb8;
	[tilespmem:$0x1F000] =	vst v63  }
0x41: {  	_ =	swait.ge [sflag:s12], $0x2800  }
0x42: {  	[sflag:s12] =	ssyncset.done $0x0  }
0x43: {  	s29 =	sadd.s32 $0xA0, s29;
	[sflag:s12] =	ssyncadd.s32 $0xFFFFD800  }
0x44: {  	[tilespmem:s18], [sflag:$0x2] =	stream.indirect.gather [hbm4b:s1+s16], $0x80, s26, s16, $0xb8;
	[tilespmem:$0x1F000] =	vst v63  }
0x45: {  	_ =	swait.ge [sflag:s19], $0x2800  }
0x46: {  	[sflag:s19] =	ssyncset.done $0x0  }
0x47: {  	[sflag:s19] =	ssyncadd.s32 $0xFFFFD800  }
0x48: {  	[spmem:s3] =	stream.indirect.scatter.add.f32 [tilespmem:s17], [sflag:$0x3], $0x80, s21, s16, $0xb8;
	[tilespmem:$0x1F000] =	vst v63  }
0x49: {  	_ =	swait.ge [sflag:s12], $0x2800  }
0x4a: {  	[sflag:s12] =	ssyncset.done $0x0  }
0x4b: {  	[sflag:s12] =	ssyncadd.s32 $0xFFFFD800  }
0x4c: {  	[tilespmem:s17], [sflag:$0x1] =	stream.indirect.gather [hbm4b:s1+s16], $0x80, s22, s16, $0xb8;
	[tilespmem:$0x1F000] =	vst v63  }
0x4d: {  	_ =	swait.ge [sflag:s20], $0x2800  }
0x4e: {  	[sflag:s20] =	ssyncset.done $0x0  }
0x4f: {  	[sflag:s20] =	ssyncadd.s32 $0xFFFFD800  }
0x50: {  	[spmem:s3] =	stream.indirect.scatter.add.f32 [tilespmem:s18], [sflag:$0x3], $0x80, s23, s16, $0xb8;
	[tilespmem:$0x1F000] =	vst v63  }
0x51: {  	_ =	swait.ge [sflag:s12], $0x2800  }
0x52: {  	[sflag:s12] =	ssyncset.done $0x0  }
0x53: {  	[sflag:s12] =	ssyncadd.s32 $0xFFFFD800  }
0x54: {  	_ =	swait.ge [sflag:s19], $0x2800  }
0x55: {  	[sflag:s19] =	ssyncset.done $0x0  }
0x56: {  	[sflag:s19] =	ssyncadd.s32 $0xFFFFD800  }
0x57: {  	[spmem:s3] =	stream.indirect.scatter.add.f32 [tilespmem:s17], [sflag:$0x3], $0x80, s24, s16, $0xb8;
	[tilespmem:$0x1F000] =	vst v63  }
0x58: {  	_ =	swait.ge [sflag:s12], $0x2800  }
0x59: {  	s25 =	sadd.s32 $0x1, s25;
	[sflag:s12] =	ssyncset.done $0x0  }
0x5a: {  	p0 =	sne.s32 s25, s9;
	[sflag:s12] =	ssyncadd.s32 $0xFFFFD800  }
.Ltmp1:
0x5b: {  	[bflag:$0x0] =	sbarrier.arrive $0xFFFF;
	(pc) =	sbr.rel @p0 .LBB2_1-.Ltmp1, $4  }
0x5c: {  	[hbm:s8], [sflag:s14] =	dma.local [spmem:s15], $0x2710  }
0x5d: {  	_ =	swait.ge [sflag:s12], $0x2710  }
0x5e: {  	[sflag:s12] =	ssyncset.done $0x0  }
0x5f: {  	[sflag:s12] =	ssyncadd.s32 $0xFFFFD8F0  }
0x60: {  	_ =	sfence.sel $0x180000  }
0x61: {  	[bflag:$0x0] =	sbarrier.arrive $0xFFFF  }
0x62: {  	p0 =	sne.s32 s0, $0x0;
	_ =	strace $0x90000050  }
0x63: {  	s0 =	sadd.s32 @!p0 $0x100000, s2;
	[bflag:$0x2] =	sbarrier.arrive $0xFFFF  }
0x64: {  	[sflag:s0] =	ssyncadd.tile.s32 @!p0 $0x1;
	_ =	shalt  }
.Lfunc_end2:
_tile_overlayer_lowered:
.L_overlay_start_2:
0x65: {  	(tag) =	ssettag $0x2  }
0x66: {  	s0 =	rddreg [dreg:$0x0];
	s2 =	stileid.u32  }
0x67: {  	s1 =	rddreg [dreg:$0x1];
	p0 =	sne.s32 s2, $0x0  }
0x68: {  	s3 =	rddreg [dreg:$0x2];
	[bflag:$0x3] =	sbarrier.arrive $0xFFFF;
	s2 =	simm.s32 @!p0 $0x1C03  }
0x69: {  	[timem:s3], [sflag:s2] =	dma.local @!p0 [hbm:s0], s1  }
0x6a: {  	s0 =	simm.s32 @!p0 $0x3  }
0x6b: {  	_ =	swait.ge @!p0 [sflag:s0], s1  }
0x6c: {  	s1 =	ssub.s32 @!p0 $0x0, s1;
	[sflag:s0] =	ssyncset.done @!p0 $0x0  }
0x6d: {  	[sflag:s0] =	ssyncadd.s32 @!p0 s1  }
0x6e: {  	[bflag:$0x3] =	sbarrier.arrive $0xFFFF  }
0x6f: {  	_ =	shalt  }

</sc_bundles>
